<compile_context>
chip_gen: v7x
topology: tpu7x:2x2x1
jax: 0.10.2.dev20260603
libtpu: 0.0.44.dev20260713+nightly
codegen_flags: <defaults>
</compile_context>

<pallas_src>
import functools

import jax
import jax.numpy as jnp
from jax import lax
from jax.experimental import pallas as pl
from jax.experimental.pallas import tpu as pltpu, tpu_sc as plsc

F32 = jnp.float32
BF16 = jnp.bfloat16
HI = lax.Precision.HIGHEST
KNN = 20
BN_EPS = 1e-5
NB, NPTS = 4, 1024
BNROWS = NB * NPTS
ROWBLK = 512
GRID_R = BNROWS // ROWBLK
EROWS = 64
GRID_E = BNROWS // EROWS

NC, NS = 2, 16
NW = NC * NS
PPT = BNROWS // NW
PTS_PER_DMA = 4
NGROUPS = PPT // PTS_PER_DMA


def _lrelu(v):
    return jnp.where(v >= 0, v, 0.2 * v)


def _topk_body(g_ref, out_ref):
    b = pl.program_id(0)
    v = g_ref[0]
    iota = lax.broadcasted_iota(jnp.int32, (ROWBLK, NPTS), 1)
    cols = []
    for _ in range(KNN):
        m = jnp.max(v, axis=1, keepdims=True)
        cand = jnp.where(v == m, iota, NPTS)
        j = jnp.min(cand, axis=1, keepdims=True)
        cols.append(j)
        v = jnp.where(iota == j, -jnp.inf, v)
    out_ref[0] = jnp.concatenate(cols, axis=1) + b * NPTS


def _topk(geod):
    return pl.pallas_call(
        _topk_body,
        grid=(NB, NPTS // ROWBLK),
        in_specs=[pl.BlockSpec((1, ROWBLK, NPTS), lambda b, i: (b, i, 0))],
        out_specs=pl.BlockSpec((1, ROWBLK, KNN), lambda b, i: (b, i, 0)),
        out_shape=jax.ShapeDtypeStruct((NB, NPTS, KNN), jnp.int32),
    )(geod)


def _make_gather(CP):
    mesh = plsc.VectorSubcoreMesh(core_axis_name="c", subcore_axis_name="s")

    @functools.partial(
        pl.kernel,
        mesh=mesh,
        out_type=jax.ShapeDtypeStruct((BNROWS * KNN, CP), F32),
        scratch_types=[
            pltpu.VMEM((PPT * KNN,), jnp.int32),
            pltpu.VMEM((PTS_PER_DMA * KNN, CP), F32),
            pltpu.SemaphoreType.DMA,
        ],
    )
    def gr(idx_hbm, x_hbm, out_hbm, idx_v, gbuf, sem):
        wid = lax.axis_index("s") * NC + lax.axis_index("c")
        base = wid * (PPT * KNN)
        pltpu.sync_copy(idx_hbm.at[pl.ds(base, PPT * KNN)], idx_v)

        def group(g, carry):
            off = g * jnp.int32(PTS_PER_DMA * KNN)
            pltpu.async_copy(
                x_hbm.at[idx_v.at[pl.ds(off, PTS_PER_DMA * KNN)]],
                gbuf, sem).wait()
            pltpu.sync_copy(
                gbuf, out_hbm.at[pl.ds(base + off, PTS_PER_DMA * KNN)])
            return carry

        lax.fori_loop(jnp.int32(0), jnp.int32(NGROUPS), group, jnp.int32(0))

    return gr


_G_CACHE = {}


def _gather(idx_flat, xpad):
    CP = xpad.shape[1]
    if CP not in _G_CACHE:
        _G_CACHE[CP] = _make_gather(CP)
    return _G_CACHE[CP](idx_flat, xpad)


def _edge_body(g_ref, x_ref, w_ref, mx_ref, *, C, CP, O):
    g3 = g_ref[...].reshape(EROWS, KNN, CP)[:, :, :C]
    cen = x_ref[...][:, :C]
    d3 = g3 - cen[:, None, :]
    e3 = jnp.concatenate(
        [d3, jnp.broadcast_to(cen[:, None, :], (EROWS, KNN, C))], axis=2)
    e = e3.reshape(EROWS * KNN, 2 * C).astype(BF16)
    h = jnp.dot(e, w_ref[...], preferred_element_type=F32)
    mx_ref[...] = jnp.max(h.reshape(EROWS, KNN, O), axis=1)


def _edge(G, xpad, wt_bf, C):
    CP = xpad.shape[1]
    O = wt_bf.shape[1]
    return pl.pallas_call(
        functools.partial(_edge_body, C=C, CP=CP, O=O),
        grid=(GRID_E,),
        in_specs=[
            pl.BlockSpec((EROWS * KNN, CP), lambda i: (i, 0)),
            pl.BlockSpec((EROWS, CP), lambda i: (i, 0)),
            pl.BlockSpec((2 * C, O), lambda i: (0, 0)),
        ],
        out_specs=pl.BlockSpec((EROWS, O), lambda i: (i, 0)),
        out_shape=jax.ShapeDtypeStruct((BNROWS, O), F32),
    )(G, xpad, wt_bf)


def _apply_body(mx_ref, mu_ref, var_ref, g_ref, b_ref, x_ref, *, O, CPN):
    xv = (mx_ref[...] - mu_ref[...]) / jnp.sqrt(var_ref[...] + BN_EPS) \
        * g_ref[...] + b_ref[...]
    xv = _lrelu(xv)
    if CPN > O:
        xv = jnp.concatenate(
            [xv, jnp.zeros((ROWBLK, CPN - O), F32)], axis=1)
    x_ref[...] = xv


def _apply(mx, mu, var, gam, bet, CPN):
    O = mx.shape[1]
    return pl.pallas_call(
        functools.partial(_apply_body, O=O, CPN=CPN),
        grid=(GRID_R,),
        in_specs=[
            pl.BlockSpec((ROWBLK, O), lambda i: (i, 0)),
            pl.BlockSpec((1, O), lambda i: (0, 0)),
            pl.BlockSpec((1, O), lambda i: (0, 0)),
            pl.BlockSpec((1, O), lambda i: (0, 0)),
            pl.BlockSpec((1, O), lambda i: (0, 0)),
        ],
        out_specs=pl.BlockSpec((ROWBLK, CPN), lambda i: (i, 0)),
        out_shape=jax.ShapeDtypeStruct((BNROWS, CPN), F32),
    )(mx, mu, var, gam, bet)


def _head1_body(x1, x2, x3, x4, w5t, h5, maxv):
    i = pl.program_id(0)
    cat = jnp.concatenate([x1[...], x2[...], x3[...], x4[...]], axis=1)
    h = jnp.dot(cat.astype(BF16), w5t[...], preferred_element_type=F32)
    h5[...] = h
    emb = h.shape[1]
    mx = jnp.max(h, axis=0, keepdims=True)
    rowmask = lax.broadcasted_iota(jnp.int32, (8, emb), 0) == i // 2
    cur = jnp.where(rowmask, jnp.broadcast_to(mx, (8, emb)), -jnp.inf)

    @pl.when(i == 0)
    def _():
        maxv[...] = cur

    @pl.when(i > 0)
    def _():
        maxv[...] = jnp.maximum(maxv[...], cur)


def _head1(x1, x2, x3, x4, w5t_bf):
    emb = w5t_bf.shape[1]
    return pl.pallas_call(
        _head1_body,
        grid=(GRID_R,),
        in_specs=[
            pl.BlockSpec((ROWBLK, x1.shape[1]), lambda i: (i, 0)),
            pl.BlockSpec((ROWBLK, x2.shape[1]), lambda i: (i, 0)),
            pl.BlockSpec((ROWBLK, x3.shape[1]), lambda i: (i, 0)),
            pl.BlockSpec((ROWBLK, x4.shape[1]), lambda i: (i, 0)),
            pl.BlockSpec((512, emb), lambda i: (0, 0)),
        ],
        out_specs=[
            pl.BlockSpec((ROWBLK, emb), lambda i: (i, 0)),
            pl.BlockSpec((8, emb), lambda i: (0, 0)),
        ],
        out_shape=[
            jax.ShapeDtypeStruct((BNROWS, emb), F32),
            jax.ShapeDtypeStruct((8, emb), F32),
        ],
    )(x1, x2, x3, x4, w5t_bf)


def _head2_body(h5, mu, var, g5, b5, msum):
    i = pl.program_id(0)
    hn = _lrelu((h5[...] - mu[...]) / jnp.sqrt(var[...] + BN_EPS)
                * g5[...] + b5[...])
    emb = hn.shape[1]
    s = jnp.sum(hn, axis=0, keepdims=True)
    rowmask = lax.broadcasted_iota(jnp.int32, (8, emb), 0) == i // 2
    cur = jnp.where(rowmask, jnp.broadcast_to(s, (8, emb)), 0.0)

    @pl.when(i == 0)
    def _():
        msum[...] = cur

    @pl.when(i > 0)
    def _():
        msum[...] = msum[...] + cur


def _head2(h5, mu, var, g5, b5):
    emb = h5.shape[1]
    return pl.pallas_call(
        _head2_body,
        grid=(GRID_R,),
        in_specs=[
            pl.BlockSpec((ROWBLK, emb), lambda i: (i, 0)),
            pl.BlockSpec((1, emb), lambda i: (0, 0)),
            pl.BlockSpec((1, emb), lambda i: (0, 0)),
            pl.BlockSpec((1, emb), lambda i: (0, 0)),
            pl.BlockSpec((1, emb), lambda i: (0, 0)),
        ],
        out_specs=pl.BlockSpec((8, emb), lambda i: (0, 0)),
        out_shape=jax.ShapeDtypeStruct((8, emb), F32),
    )(h5, mu, var, g5, b5)


def _head3_body(maxv, msum, mu5, rs5, g5, b5, l1t, g6, b6, l2t, l2b, g7, b7,
                l3t, l3b, out):
    hm = _lrelu((maxv[0:NB, :] - mu5[...]) * rs5[...] * g5[...] + b5[...])
    mv = msum[0:NB, :]
    p = jnp.concatenate([hm, mv], axis=1)

    def bn0(z, g, b):
        mu = jnp.sum(z, axis=0, keepdims=True) * (1.0 / NB)
        var = jnp.sum(z * z, axis=0, keepdims=True) * (1.0 / NB) - mu * mu
        return (z - mu) * (lax.rsqrt(var + BN_EPS) * g) + b

    z = _lrelu(bn0(jnp.dot(p.astype(BF16), l1t[...],
                           preferred_element_type=F32), g6[...], b6[...]))
    z = _lrelu(bn0(jnp.dot(z.astype(BF16), l2t[...],
                           preferred_element_type=F32) + l2b[...],
                   g7[...], b7[...]))
    out[...] = jnp.dot(z.astype(BF16), l3t[...],
                       preferred_element_type=F32) + l3b[...]


def _head3(maxv, msum, mu5, rs5, g5, b5, l1t, g6, b6, l2t, l2b, g7, b7,
           l3t, l3b):
    args = (maxv, msum, mu5, rs5, g5, b5, l1t, g6, b6, l2t, l2b, g7, b7,
            l3t, l3b)
    return pl.pallas_call(
        _head3_body,
        in_specs=[pl.BlockSpec(a.shape, lambda *_, nd=a.ndim: (0,) * nd)
                  for a in args],
        out_specs=pl.BlockSpec((NB, 40), lambda: (0, 0)),
        out_shape=jax.ShapeDtypeStruct((NB, 40), F32),
    )(*args)


def kernel(x, geod_dist, W1, g1, b1, W2, g2, b2, W3, g3, b3, W4, g4, b4,
           W5, g5, b5, L1, g6, b6, L2, L2b, g7, b7, L3, L3b):
    r2 = lambda v: v.reshape(1, -1)

    xt = jnp.transpose(x, (0, 2, 1)).reshape(BNROWS, 3)
    xpad1 = jnp.pad(xt, ((0, 0), (0, 125)))

    gidx = _topk(geod_dist).reshape(BNROWS * KNN)

    def layer(xpad, C, CP, W, gam, bet, CPN):
        O = W.shape[0]
        del CP
        G = _gather(gidx, xpad)
        mx = _edge(G, xpad, W.T.astype(BF16), C)
        cen = xpad[:, :C]
        d = G[:, :C].reshape(BNROWS, KNN, C) - cen[:, None, :]
        e = jnp.concatenate(
            [d, jnp.broadcast_to(cen[:, None, :], (BNROWS, KNN, C))], axis=2)
        hx = jnp.dot(e.reshape(BNROWS * KNN, 2 * C).astype(BF16),
                     W.T.astype(BF16), preferred_element_type=F32)
        hb = jnp.transpose(hx.reshape(NB, NPTS, KNN, O), (0, 3, 1, 2))
        mu = r2(jnp.mean(hb, axis=(0, 2, 3)))
        var = r2(jnp.var(hb, axis=(0, 2, 3)))
        return _apply(mx, mu, var, r2(gam), r2(bet), CPN)

    xp2 = layer(xpad1, 3, 128, W1, g1, b1, 128)
    xp3 = layer(xp2, 64, 128, W2, g2, b2, 128)
    xp4 = layer(xp3, 64, 128, W3, g3, b3, 128)
    x4 = layer(xp4, 128, 128, W4, g4, b4, 256)

    x1 = xp2[:, :64]
    x2 = xp3[:, :64]
    x3 = xp4
    h5, maxv = _head1(x1, x2, x3, x4, W5.T.astype(BF16))
    cat = jnp.concatenate([x1, x2, x3, x4], axis=1)
    hx5 = jnp.dot(cat.astype(BF16), W5.T.astype(BF16),
                  preferred_element_type=F32)
    s1 = jnp.sum(hx5, axis=0)
    s2 = jnp.sum(hx5 * hx5, axis=0)
    mu5v = s1 / BNROWS
    rs5v = lax.rsqrt(s2 / BNROWS - mu5v * mu5v + BN_EPS)
    hn = _lrelu((hx5 - mu5v) * rs5v * g5.reshape(1, -1) + b5.reshape(1, -1))
    mv = jnp.mean(hn.reshape(NB, NPTS, -1), axis=1)
    mvpad = jnp.pad(mv, ((0, 4), (0, 0)))
    return _head3(maxv, mvpad, r2(mu5v), r2(rs5v), r2(g5), r2(b5),
                  L1.T.astype(BF16), r2(g6), r2(b6),
                  L2.T.astype(BF16), r2(L2b), r2(g7), r2(b7),
                  L3.T.astype(BF16), r2(L3b))

# --- scband reference (transcript-rebuilt; emitter-appended) ---
"""Pipeline reference for scband-dgcnn-geo-3513283248947 (READ-ONLY COPY).

The authoritative reference and input builder live on the scoring server;
editing this copy changes nothing except your own understanding.
"""

import jax, jax.numpy as jnp
import numpy as np

K = 20

def _bn(x, gamma, beta, axes, eps=1e-5):
    mean = jnp.mean(x, axis=axes, keepdims=True)
    var = jnp.var(x, axis=axes, keepdims=True)
    shape = (1, gamma.shape[0]) + (1,) * (x.ndim - 2)
    return (x - mean) / jnp.sqrt(var + eps) * gamma.reshape(shape) + beta.reshape(shape)

def _lrelu(x):
    return jnp.where(x >= 0, x, 0.2 * x)

def _edge_feat(x, geod_dist, k):
    B, C, N = x.shape
    idx = jax.lax.top_k(geod_dist, k)[1]  # [B, N, k]
    xt = jnp.transpose(x, (0, 2, 1))  # [B, N, C]
    nbr = xt[jnp.arange(B)[:, None, None], idx]  # [B, N, k, C]
    cen = jnp.broadcast_to(xt[:, :, None, :], (B, N, k, C))
    feat = jnp.concatenate([nbr - cen, cen], axis=3)
    return jnp.transpose(feat, (0, 3, 1, 2))  # [B, 2C, N, k]

def setup_inputs(seed: int = 0):
    key = jax.random.key(seed)
    ks = jax.random.split(key, 12)
    B, N, emb, outC = 4, 1024, 1024, 40
    x = jax.random.normal(ks[0], (B, 3, N), dtype=jnp.float32)
    geod_dist = jax.random.normal(ks[1], (B, N, N), dtype=jnp.float32)
    def w(k_, shape):
        return jax.random.normal(k_, shape, dtype=jnp.float32) * 0.05
    inp = dict(x=x, geod_dist=geod_dist)
    inp['W1'] = w(ks[2], (64, 6)); inp['g1'] = jnp.ones(64, jnp.float32); inp['b1'] = jnp.zeros(64, jnp.float32)
    inp['W2'] = w(ks[3], (64, 128)); inp['g2'] = jnp.ones(64, jnp.float32); inp['b2'] = jnp.zeros(64, jnp.float32)
    inp['W3'] = w(ks[4], (128, 128)); inp['g3'] = jnp.ones(128, jnp.float32); inp['b3'] = jnp.zeros(128, jnp.float32)
    inp['W4'] = w(ks[5], (256, 256)); inp['g4'] = jnp.ones(256, jnp.float32); inp['b4'] = jnp.zeros(256, jnp.float32)
    inp['W5'] = w(ks[6], (emb, 512)); inp['g5'] = jnp.ones(emb, jnp.float32); inp['b5'] = jnp.zeros(emb, jnp.float32)
    inp['L1'] = w(ks[7], (512, 2 * emb)); inp['g6'] = jnp.ones(512, jnp.float32); inp['b6'] = jnp.zeros(512, jnp.float32)
    inp['L2'] = w(ks[8], (256, 512)); inp['L2b'] = jnp.zeros(256, jnp.float32); inp['g7'] = jnp.ones(256, jnp.float32); inp['b7'] = jnp.zeros(256, jnp.float32)
    inp['L3'] = w(ks[9], (outC, 256)); inp['L3b'] = jnp.zeros(outC, jnp.float32)
    return inp

def reference(x, geod_dist, W1, g1, b1, W2, g2, b2, W3, g3, b3, W4, g4, b4, W5, g5, b5, L1, g6, b6, L2, L2b, g7, b7, L3, L3b):
    e = _edge_feat(x, geod_dist, K)
    h = jnp.einsum('oc,bcnk->bonk', W1, e)
    x1 = jnp.max(_lrelu(_bn(h, g1, b1, (0, 2, 3))), axis=-1)
    e = _edge_feat(x1, geod_dist, K)
    h = jnp.einsum('oc,bcnk->bonk', W2, e)
    x2 = jnp.max(_lrelu(_bn(h, g2, b2, (0, 2, 3))), axis=-1)
    e = _edge_feat(x2, geod_dist, K)
    h = jnp.einsum('oc,bcnk->bonk', W3, e)
    x3 = jnp.max(_lrelu(_bn(h, g3, b3, (0, 2, 3))), axis=-1)
    e = _edge_feat(x3, geod_dist, K)
    h = jnp.einsum('oc,bcnk->bonk', W4, e)
    x4 = jnp.max(_lrelu(_bn(h, g4, b4, (0, 2, 3))), axis=-1)
    cat = jnp.concatenate([x1, x2, x3, x4], axis=1)  # [B, 512, N]
    h = jnp.einsum('oc,bcn->bon', W5, cat)
    h = _lrelu(_bn(h, g5, b5, (0, 2)))  # [B, emb, N]
    p = jnp.concatenate([jnp.max(h, axis=2), jnp.mean(h, axis=2)], axis=1)  # [B, 2*emb]
    z = _lrelu(_bn(p @ L1.T, g6, b6, (0,)))
    z = _lrelu(_bn(z @ L2.T + L2b, g7, b7, (0,)))
    return z @ L3.T + L3b

if __name__ == "__main__":
    import jax
    _d = setup_inputs()
    print(jax.jit(kernel)(*tuple(_d.values())))

</pallas_src>

<mosaic_0001>
#map = affine_map<(d0, d1) -> (0)>
#map1 = affine_map<(d0, d1) -> (0, 0)>
module attributes {stable_mosaic.version = 14 : i64} {
  func.func @gr(%arg0: i32, %arg1: i32, %arg2: memref<81920xi32, #tpu.memory_space<hbm>>, %arg3: memref<4096x128xf32, #tpu.memory_space<hbm>>, %arg4: memref<81920x128xf32, #tpu.memory_space<hbm>>, %arg5: memref<2560xi32, #tpu.memory_space<vmem>>, %arg6: memref<80x128xf32, #tpu.memory_space<vmem>>, %arg7: memref<!tpu.dma_semaphore, #tpu.memory_space<semaphore_mem>>) attributes {dimension_semantics = [#tpu.dimension_semantics<core_parallel>, #tpu.dimension_semantics<subcore_parallel>], iteration_bounds = array<i64: 2, 16>, scalar_prefetch = 0 : i64, scratch_operands = 3 : i64, tpu.core_type = #tpu.core_type<sc_vector_subcore>, window_params = [{transform_indices = #map}, {transform_indices = #map1}, {transform_indices = #map1}]} {
    %mul3A = arith.constant 2 : i32
    %mul3A_0 = arith.muli %arg1, %mul3A : i32
    %add3A = arith.addi %mul3A_0, %arg0 : i32
    %mul3A_1 = arith.constant 2560 : i32
    %mul3A_2 = arith.muli %add3A, %mul3A_1 : i32
    "tpu.region"() ({
      %run_scoped3A = tpu.sem_alloc : memref<!tpu.dma_semaphore, #tpu.memory_space<semaphore_mem>>
      %dma_start3A = tpu.memref_slice %arg2[%mul3A_2] : memref<81920xi32, #tpu.memory_space<hbm>> -> memref<2560xi32, #tpu.memory_space<hbm>>
      %dma_start3A_13 = tpu.memref_slice %arg2[%mul3A_2] : memref<81920xi32, #tpu.memory_space<hbm>> -> memref<2560xi32, #tpu.memory_space<hbm>>
      tpu.enqueue_dma source(%dma_start3A_13 : memref<2560xi32, #tpu.memory_space<hbm>>) target(%arg5 : memref<2560xi32, #tpu.memory_space<vmem>>) target_semaphore(%run_scoped3A : memref<!tpu.dma_semaphore, #tpu.memory_space<semaphore_mem>>)
      %dma_wait3A = tpu.memref_slice %arg2[%mul3A_2] : memref<81920xi32, #tpu.memory_space<hbm>> -> memref<2560xi32, #tpu.memory_space<hbm>>
      %dma_wait3A_14 = tpu.memref_slice %arg2[%mul3A_2] : memref<81920xi32, #tpu.memory_space<hbm>> -> memref<2560xi32, #tpu.memory_space<hbm>>
      tpu.wait_dma2 semaphore(%run_scoped3A : memref<!tpu.dma_semaphore, #tpu.memory_space<semaphore_mem>>) src(%dma_wait3A_14 : memref<2560xi32, #tpu.memory_space<hbm>>) dst(%arg5 : memref<2560xi32, #tpu.memory_space<vmem>>)
      tpu.yield
    }) : () -> ()
    %while3A = arith.constant 0 : i32
    %while3A_3 = arith.constant 0 : i32
    %while3A_4 = arith.constant 32 : i32
    %while3A_5 = arith.subi %while3A_4, %while3A_3 : i32
    %while3A_6 = arith.addi %while3A_3, %while3A_5 : i32
    %while3A_7 = arith.constant 1 : i32
    %while3A_8 = arith.divsi %while3A_5, %while3A_7 : i32
    %while3A_9 = arith.muli %while3A_8, %while3A_7 : i32
    %while3A_10 = arith.addi %while3A_3, %while3A_9 : i32
    %while3A_11 = arith.constant 1 : i32
    scf.for %while3A_13 = %while3A_3 to %while3A_10 step %while3A_11  : i32 {
      %mul3A_14 = arith.constant 80 : i32
      %mul3A_15 = arith.muli %while3A_13, %mul3A_14 : i32
      %dma_start3A = tpu.memref_slice %arg5[%mul3A_15] : memref<2560xi32, #tpu.memory_space<vmem>> -> memref<80xi32, #tpu.memory_space<vmem>>
      %dma_start3A_16 = arith.constant 0 : i32
      %dma_start3A_17 = arith.constant 0 : i32
      %dma_start3A_18 = tpu.memref_slice %arg3[%dma_start3A_16, %dma_start3A_17] : memref<4096x128xf32, #tpu.memory_space<hbm>> -> memref<4096x128xf32, #tpu.memory_space<hbm>>
      tpu.enqueue_indirect_dma source(%dma_start3A_18 : memref<4096x128xf32, #tpu.memory_space<hbm>>) target(%arg6 : memref<80x128xf32, #tpu.memory_space<vmem>>) offsets(%dma_start3A : memref<80xi32, #tpu.memory_space<vmem>>) semaphore(%arg7 : memref<!tpu.dma_semaphore, #tpu.memory_space<semaphore_mem>>)
      %dma_wait3A = tpu.memref_slice %arg5[%mul3A_15] : memref<2560xi32, #tpu.memory_space<vmem>> -> memref<80xi32, #tpu.memory_space<vmem>>
      %dma_wait3A_19 = arith.constant 0 : i32
      %dma_wait3A_20 = arith.constant 0 : i32
      %dma_wait3A_21 = tpu.memref_slice %arg3[%dma_wait3A_19, %dma_wait3A_20] : memref<4096x128xf32, #tpu.memory_space<hbm>> -> memref<4096x128xf32, #tpu.memory_space<hbm>>
      tpu.wait_indirect_dma semaphore(%arg7 : memref<!tpu.dma_semaphore, #tpu.memory_space<semaphore_mem>>) src(%dma_wait3A_21 : memref<4096x128xf32, #tpu.memory_space<hbm>>) dst(%arg6 : memref<80x128xf32, #tpu.memory_space<vmem>>)
      %add3A_22 = arith.addi %mul3A_2, %mul3A_15 : i32
      "tpu.region"() ({
        %run_scoped3A = tpu.sem_alloc : memref<!tpu.dma_semaphore, #tpu.memory_space<semaphore_mem>>
        %dma_start3A_23 = arith.constant 0 : i32
        %dma_start3A_24 = tpu.memref_slice %arg4[%add3A_22, %dma_start3A_23] : memref<81920x128xf32, #tpu.memory_space<hbm>> -> memref<80x128xf32, #tpu.memory_space<hbm>>
        %dma_start3A_25 = arith.constant 0 : i32
        %dma_start3A_26 = tpu.memref_slice %arg4[%add3A_22, %dma_start3A_25] : memref<81920x128xf32, #tpu.memory_space<hbm>> -> memref<80x128xf32, #tpu.memory_space<hbm>>
        tpu.enqueue_dma source(%arg6 : memref<80x128xf32, #tpu.memory_space<vmem>>) target(%dma_start3A_26 : memref<80x128xf32, #tpu.memory_space<hbm>>) target_semaphore(%run_scoped3A : memref<!tpu.dma_semaphore, #tpu.memory_space<semaphore_mem>>)
        %dma_wait3A_27 = arith.constant 0 : i32
        %dma_wait3A_28 = tpu.memref_slice %arg4[%add3A_22, %dma_wait3A_27] : memref<81920x128xf32, #tpu.memory_space<hbm>> -> memref<80x128xf32, #tpu.memory_space<hbm>>
        %dma_wait3A_29 = arith.constant 0 : i32
        %dma_wait3A_30 = tpu.memref_slice %arg4[%add3A_22, %dma_wait3A_29] : memref<81920x128xf32, #tpu.memory_space<hbm>> -> memref<80x128xf32, #tpu.memory_space<hbm>>
        tpu.wait_dma2 semaphore(%run_scoped3A : memref<!tpu.dma_semaphore, #tpu.memory_space<semaphore_mem>>) src(%arg6 : memref<80x128xf32, #tpu.memory_space<vmem>>) dst(%dma_wait3A_30 : memref<80x128xf32, #tpu.memory_space<hbm>>)
        tpu.yield
      }) : () -> ()
    }
    %while3A_12 = arith.constant 1 : i32
    scf.for %while3A_13 = %while3A_10 to %while3A_6 step %while3A_12  : i32 {
      %mul3A_14 = arith.constant 80 : i32
      %mul3A_15 = arith.muli %while3A_13, %mul3A_14 : i32
      %dma_start3A = tpu.memref_slice %arg5[%mul3A_15] : memref<2560xi32, #tpu.memory_space<vmem>> -> memref<80xi32, #tpu.memory_space<vmem>>
      %dma_start3A_16 = arith.constant 0 : i32
      %dma_start3A_17 = arith.constant 0 : i32
      %dma_start3A_18 = tpu.memref_slice %arg3[%dma_start3A_16, %dma_start3A_17] : memref<4096x128xf32, #tpu.memory_space<hbm>> -> memref<4096x128xf32, #tpu.memory_space<hbm>>
      tpu.enqueue_indirect_dma source(%dma_start3A_18 : memref<4096x128xf32, #tpu.memory_space<hbm>>) target(%arg6 : memref<80x128xf32, #tpu.memory_space<vmem>>) offsets(%dma_start3A : memref<80xi32, #tpu.memory_space<vmem>>) semaphore(%arg7 : memref<!tpu.dma_semaphore, #tpu.memory_space<semaphore_mem>>)
      %dma_wait3A = tpu.memref_slice %arg5[%mul3A_15] : memref<2560xi32, #tpu.memory_space<vmem>> -> memref<80xi32, #tpu.memory_space<vmem>>
      %dma_wait3A_19 = arith.constant 0 : i32
      %dma_wait3A_20 = arith.constant 0 : i32
      %dma_wait3A_21 = tpu.memref_slice %arg3[%dma_wait3A_19, %dma_wait3A_20] : memref<4096x128xf32, #tpu.memory_space<hbm>> -> memref<4096x128xf32, #tpu.memory_space<hbm>>
      tpu.wait_indirect_dma semaphore(%arg7 : memref<!tpu.dma_semaphore, #tpu.memory_space<semaphore_mem>>) src(%dma_wait3A_21 : memref<4096x128xf32, #tpu.memory_space<hbm>>) dst(%arg6 : memref<80x128xf32, #tpu.memory_space<vmem>>)
      %add3A_22 = arith.addi %mul3A_2, %mul3A_15 : i32
      "tpu.region"() ({
        %run_scoped3A = tpu.sem_alloc : memref<!tpu.dma_semaphore, #tpu.memory_space<semaphore_mem>>
        %dma_start3A_23 = arith.constant 0 : i32
        %dma_start3A_24 = tpu.memref_slice %arg4[%add3A_22, %dma_start3A_23] : memref<81920x128xf32, #tpu.memory_space<hbm>> -> memref<80x128xf32, #tpu.memory_space<hbm>>
        %dma_start3A_25 = arith.constant 0 : i32
        %dma_start3A_26 = tpu.memref_slice %arg4[%add3A_22, %dma_start3A_25] : memref<81920x128xf32, #tpu.memory_space<hbm>> -> memref<80x128xf32, #tpu.memory_space<hbm>>
        tpu.enqueue_dma source(%arg6 : memref<80x128xf32, #tpu.memory_space<vmem>>) target(%dma_start3A_26 : memref<80x128xf32, #tpu.memory_space<hbm>>) target_semaphore(%run_scoped3A : memref<!tpu.dma_semaphore, #tpu.memory_space<semaphore_mem>>)
        %dma_wait3A_27 = arith.constant 0 : i32
        %dma_wait3A_28 = tpu.memref_slice %arg4[%add3A_22, %dma_wait3A_27] : memref<81920x128xf32, #tpu.memory_space<hbm>> -> memref<80x128xf32, #tpu.memory_space<hbm>>
        %dma_wait3A_29 = arith.constant 0 : i32
        %dma_wait3A_30 = tpu.memref_slice %arg4[%add3A_22, %dma_wait3A_29] : memref<81920x128xf32, #tpu.memory_space<hbm>> -> memref<80x128xf32, #tpu.memory_space<hbm>>
        tpu.wait_dma2 semaphore(%run_scoped3A : memref<!tpu.dma_semaphore, #tpu.memory_space<semaphore_mem>>) src(%arg6 : memref<80x128xf32, #tpu.memory_space<vmem>>) dst(%dma_wait3A_30 : memref<80x128xf32, #tpu.memory_space<hbm>>)
        tpu.yield
      }) : () -> ()
    }
    return
  }
}

#map = affine_map<(d0, d1) -> (0)>
#map1 = affine_map<(d0, d1) -> (0, 0)>
module attributes {stable_mosaic.version = 14 : i64} {
  func.func @gr(%arg0: i32, %arg1: i32, %arg2: memref<81920xi32, #tpu.memory_space<hbm>>, %arg3: memref<4096x128xf32, #tpu.memory_space<hbm>>, %arg4: memref<81920x128xf32, #tpu.memory_space<hbm>>, %arg5: memref<2560xi32, #tpu.memory_space<vmem>>, %arg6: memref<80x128xf32, #tpu.memory_space<vmem>>, %arg7: memref<!tpu.dma_semaphore, #tpu.memory_space<semaphore_mem>>) attributes {dimension_semantics = [#tpu.dimension_semantics<core_parallel>, #tpu.dimension_semantics<subcore_parallel>], iteration_bounds = array<i64: 2, 16>, scalar_prefetch = 0 : i64, scratch_operands = 3 : i64, tpu.core_type = #tpu.core_type<sc_vector_subcore>, window_params = [{transform_indices = #map}, {transform_indices = #map1}, {transform_indices = #map1}]} {
    %mul3A = arith.constant 2 : i32
    %mul3A_0 = arith.muli %arg1, %mul3A : i32
    %add3A = arith.addi %mul3A_0, %arg0 : i32
    %mul3A_1 = arith.constant 2560 : i32
    %mul3A_2 = arith.muli %add3A, %mul3A_1 : i32
    "tpu.region"() ({
      %run_scoped3A = tpu.sem_alloc : memref<!tpu.dma_semaphore, #tpu.memory_space<semaphore_mem>>
      %dma_start3A = tpu.memref_slice %arg2[%mul3A_2] : memref<81920xi32, #tpu.memory_space<hbm>> -> memref<2560xi32, #tpu.memory_space<hbm>>
      %dma_start3A_13 = tpu.memref_slice %arg2[%mul3A_2] : memref<81920xi32, #tpu.memory_space<hbm>> -> memref<2560xi32, #tpu.memory_space<hbm>>
      tpu.enqueue_dma source(%dma_start3A_13 : memref<2560xi32, #tpu.memory_space<hbm>>) target(%arg5 : memref<2560xi32, #tpu.memory_space<vmem>>) target_semaphore(%run_scoped3A : memref<!tpu.dma_semaphore, #tpu.memory_space<semaphore_mem>>)
      %dma_wait3A = tpu.memref_slice %arg2[%mul3A_2] : memref<81920xi32, #tpu.memory_space<hbm>> -> memref<2560xi32, #tpu.memory_space<hbm>>
      %dma_wait3A_14 = tpu.memref_slice %arg2[%mul3A_2] : memref<81920xi32, #tpu.memory_space<hbm>> -> memref<2560xi32, #tpu.memory_space<hbm>>
      tpu.wait_dma2 semaphore(%run_scoped3A : memref<!tpu.dma_semaphore, #tpu.memory_space<semaphore_mem>>) src(%dma_wait3A_14 : memref<2560xi32, #tpu.memory_space<hbm>>) dst(%arg5 : memref<2560xi32, #tpu.memory_space<vmem>>)
      tpu.yield
    }) : () -> ()
    %while3A = arith.constant 0 : i32
    %while3A_3 = arith.constant 0 : i32
    %while3A_4 = arith.constant 32 : i32
    %while3A_5 = arith.subi %while3A_4, %while3A_3 : i32
    %while3A_6 = arith.addi %while3A_3, %while3A_5 : i32
    %while3A_7 = arith.constant 1 : i32
    %while3A_8 = arith.divsi %while3A_5, %while3A_7 : i32
    %while3A_9 = arith.muli %while3A_8, %while3A_7 : i32
    %while3A_10 = arith.addi %while3A_3, %while3A_9 : i32
    %while3A_11 = arith.constant 1 : i32
    scf.for %while3A_13 = %while3A_3 to %while3A_10 step %while3A_11  : i32 {
      %mul3A_14 = arith.constant 80 : i32
      %mul3A_15 = arith.muli %while3A_13, %mul3A_14 : i32
      %dma_start3A = tpu.memref_slice %arg5[%mul3A_15] : memref<2560xi32, #tpu.memory_space<vmem>> -> memref<80xi32, #tpu.memory_space<vmem>>
      %dma_start3A_16 = arith.constant 0 : i32
      %dma_start3A_17 = arith.constant 0 : i32
      %dma_start3A_18 = tpu.memref_slice %arg3[%dma_start3A_16, %dma_start3A_17] : memref<4096x128xf32, #tpu.memory_space<hbm>> -> memref<4096x128xf32, #tpu.memory_space<hbm>>
      tpu.enqueue_indirect_dma source(%dma_start3A_18 : memref<4096x128xf32, #tpu.memory_space<hbm>>) target(%arg6 : memref<80x128xf32, #tpu.memory_space<vmem>>) offsets(%dma_start3A : memref<80xi32, #tpu.memory_space<vmem>>) semaphore(%arg7 : memref<!tpu.dma_semaphore, #tpu.memory_space<semaphore_mem>>)
      %dma_wait3A = tpu.memref_slice %arg5[%mul3A_15] : memref<2560xi32, #tpu.memory_space<vmem>> -> memref<80xi32, #tpu.memory_space<vmem>>
      %dma_wait3A_19 = arith.constant 0 : i32
      %dma_wait3A_20 = arith.constant 0 : i32
      %dma_wait3A_21 = tpu.memref_slice %arg3[%dma_wait3A_19, %dma_wait3A_20] : memref<4096x128xf32, #tpu.memory_space<hbm>> -> memref<4096x128xf32, #tpu.memory_space<hbm>>
      tpu.wait_indirect_dma semaphore(%arg7 : memref<!tpu.dma_semaphore, #tpu.memory_space<semaphore_mem>>) src(%dma_wait3A_21 : memref<4096x128xf32, #tpu.memory_space<hbm>>) dst(%arg6 : memref<80x128xf32, #tpu.memory_space<vmem>>)
      %add3A_22 = arith.addi %mul3A_2, %mul3A_15 : i32
      "tpu.region"() ({
        %run_scoped3A = tpu.sem_alloc : memref<!tpu.dma_semaphore, #tpu.memory_space<semaphore_mem>>
        %dma_start3A_23 = arith.constant 0 : i32
        %dma_start3A_24 = tpu.memref_slice %arg4[%add3A_22, %dma_start3A_23] : memref<81920x128xf32, #tpu.memory_space<hbm>> -> memref<80x128xf32, #tpu.memory_space<hbm>>
        %dma_start3A_25 = arith.constant 0 : i32
        %dma_start3A_26 = tpu.memref_slice %arg4[%add3A_22, %dma_start3A_25] : memref<81920x128xf32, #tpu.memory_space<hbm>> -> memref<80x128xf32, #tpu.memory_space<hbm>>
        tpu.enqueue_dma source(%arg6 : memref<80x128xf32, #tpu.memory_space<vmem>>) target(%dma_start3A_26 : memref<80x128xf32, #tpu.memory_space<hbm>>) target_semaphore(%run_scoped3A : memref<!tpu.dma_semaphore, #tpu.memory_space<semaphore_mem>>)
        %dma_wait3A_27 = arith.constant 0 : i32
        %dma_wait3A_28 = tpu.memref_slice %arg4[%add3A_22, %dma_wait3A_27] : memref<81920x128xf32, #tpu.memory_space<hbm>> -> memref<80x128xf32, #tpu.memory_space<hbm>>
        %dma_wait3A_29 = arith.constant 0 : i32
        %dma_wait3A_30 = tpu.memref_slice %arg4[%add3A_22, %dma_wait3A_29] : memref<81920x128xf32, #tpu.memory_space<hbm>> -> memref<80x128xf32, #tpu.memory_space<hbm>>
        tpu.wait_dma2 semaphore(%run_scoped3A : memref<!tpu.dma_semaphore, #tpu.memory_space<semaphore_mem>>) src(%arg6 : memref<80x128xf32, #tpu.memory_space<vmem>>) dst(%dma_wait3A_30 : memref<80x128xf32, #tpu.memory_space<hbm>>)
        tpu.yield
      }) : () -> ()
    }
    %while3A_12 = arith.constant 1 : i32
    scf.for %while3A_13 = %while3A_10 to %while3A_6 step %while3A_12  : i32 {
      %mul3A_14 = arith.constant 80 : i32
      %mul3A_15 = arith.muli %while3A_13, %mul3A_14 : i32
      %dma_start3A = tpu.memref_slice %arg5[%mul3A_15] : memref<2560xi32, #tpu.memory_space<vmem>> -> memref<80xi32, #tpu.memory_space<vmem>>
      %dma_start3A_16 = arith.constant 0 : i32
      %dma_start3A_17 = arith.constant 0 : i32
      %dma_start3A_18 = tpu.memref_slice %arg3[%dma_start3A_16, %dma_start3A_17] : memref<4096x128xf32, #tpu.memory_space<hbm>> -> memref<4096x128xf32, #tpu.memory_space<hbm>>
      tpu.enqueue_indirect_dma source(%dma_start3A_18 : memref<4096x128xf32, #tpu.memory_space<hbm>>) target(%arg6 : memref<80x128xf32, #tpu.memory_space<vmem>>) offsets(%dma_start3A : memref<80xi32, #tpu.memory_space<vmem>>) semaphore(%arg7 : memref<!tpu.dma_semaphore, #tpu.memory_space<semaphore_mem>>)
      %dma_wait3A = tpu.memref_slice %arg5[%mul3A_15] : memref<2560xi32, #tpu.memory_space<vmem>> -> memref<80xi32, #tpu.memory_space<vmem>>
      %dma_wait3A_19 = arith.constant 0 : i32
      %dma_wait3A_20 = arith.constant 0 : i32
      %dma_wait3A_21 = tpu.memref_slice %arg3[%dma_wait3A_19, %dma_wait3A_20] : memref<4096x128xf32, #tpu.memory_space<hbm>> -> memref<4096x128xf32, #tpu.memory_space<hbm>>
      tpu.wait_indirect_dma semaphore(%arg7 : memref<!tpu.dma_semaphore, #tpu.memory_space<semaphore_mem>>) src(%dma_wait3A_21 : memref<4096x128xf32, #tpu.memory_space<hbm>>) dst(%arg6 : memref<80x128xf32, #tpu.memory_space<vmem>>)
      %add3A_22 = arith.addi %mul3A_2, %mul3A_15 : i32
      "tpu.region"() ({
        %run_scoped3A = tpu.sem_alloc : memref<!tpu.dma_semaphore, #tpu.memory_space<semaphore_mem>>
        %dma_start3A_23 = arith.constant 0 : i32
        %dma_start3A_24 = tpu.memref_slice %arg4[%add3A_22, %dma_start3A_23] : memref<81920x128xf32, #tpu.memory_space<hbm>> -> memref<80x128xf32, #tpu.memory_space<hbm>>
        %dma_start3A_25 = arith.constant 0 : i32
        %dma_start3A_26 = tpu.memref_slice %arg4[%add3A_22, %dma_start3A_25] : memref<81920x128xf32, #tpu.memory_space<hbm>> -> memref<80x128xf32, #tpu.memory_space<hbm>>
        tpu.enqueue_dma source(%arg6 : memref<80x128xf32, #tpu.memory_space<vmem>>) target(%dma_start3A_26 : memref<80x128xf32, #tpu.memory_space<hbm>>) target_semaphore(%run_scoped3A : memref<!tpu.dma_semaphore, #tpu.memory_space<semaphore_mem>>)
        %dma_wait3A_27 = arith.constant 0 : i32
        %dma_wait3A_28 = tpu.memref_slice %arg4[%add3A_22, %dma_wait3A_27] : memref<81920x128xf32, #tpu.memory_space<hbm>> -> memref<80x128xf32, #tpu.memory_space<hbm>>
        %dma_wait3A_29 = arith.constant 0 : i32
        %dma_wait3A_30 = tpu.memref_slice %arg4[%add3A_22, %dma_wait3A_29] : memref<81920x128xf32, #tpu.memory_space<hbm>> -> memref<80x128xf32, #tpu.memory_space<hbm>>
        tpu.wait_dma2 semaphore(%run_scoped3A : memref<!tpu.dma_semaphore, #tpu.memory_space<semaphore_mem>>) src(%arg6 : memref<80x128xf32, #tpu.memory_space<vmem>>) dst(%dma_wait3A_30 : memref<80x128xf32, #tpu.memory_space<hbm>>)
        tpu.yield
      }) : () -> ()
    }
    return
  }
}

#map = affine_map<(d0, d1) -> (0)>
#map1 = affine_map<(d0, d1) -> (0, 0)>
module attributes {stable_mosaic.version = 14 : i64} {
  func.func @gr(%arg0: i32, %arg1: i32, %arg2: memref<81920xi32, #tpu.memory_space<hbm>>, %arg3: memref<4096x128xf32, #tpu.memory_space<hbm>>, %arg4: memref<81920x128xf32, #tpu.memory_space<hbm>>, %arg5: memref<2560xi32, #tpu.memory_space<vmem>>, %arg6: memref<80x128xf32, #tpu.memory_space<vmem>>, %arg7: memref<!tpu.dma_semaphore, #tpu.memory_space<semaphore_mem>>) attributes {dimension_semantics = [#tpu.dimension_semantics<core_parallel>, #tpu.dimension_semantics<subcore_parallel>], iteration_bounds = array<i64: 2, 16>, scalar_prefetch = 0 : i64, scratch_operands = 3 : i64, tpu.core_type = #tpu.core_type<sc_vector_subcore>, window_params = [{transform_indices = #map}, {transform_indices = #map1}, {transform_indices = #map1}]} {
    %mul3A = arith.constant 2 : i32
    %mul3A_0 = arith.muli %arg1, %mul3A : i32
    %add3A = arith.addi %mul3A_0, %arg0 : i32
    %mul3A_1 = arith.constant 2560 : i32
    %mul3A_2 = arith.muli %add3A, %mul3A_1 : i32
    "tpu.region"() ({
      %run_scoped3A = tpu.sem_alloc : memref<!tpu.dma_semaphore, #tpu.memory_space<semaphore_mem>>
      %dma_start3A = tpu.memref_slice %arg2[%mul3A_2] : memref<81920xi32, #tpu.memory_space<hbm>> -> memref<2560xi32, #tpu.memory_space<hbm>>
      %dma_start3A_13 = tpu.memref_slice %arg2[%mul3A_2] : memref<81920xi32, #tpu.memory_space<hbm>> -> memref<2560xi32, #tpu.memory_space<hbm>>
      tpu.enqueue_dma source(%dma_start3A_13 : memref<2560xi32, #tpu.memory_space<hbm>>) target(%arg5 : memref<2560xi32, #tpu.memory_space<vmem>>) target_semaphore(%run_scoped3A : memref<!tpu.dma_semaphore, #tpu.memory_space<semaphore_mem>>)
      %dma_wait3A = tpu.memref_slice %arg2[%mul3A_2] : memref<81920xi32, #tpu.memory_space<hbm>> -> memref<2560xi32, #tpu.memory_space<hbm>>
      %dma_wait3A_14 = tpu.memref_slice %arg2[%mul3A_2] : memref<81920xi32, #tpu.memory_space<hbm>> -> memref<2560xi32, #tpu.memory_space<hbm>>
      tpu.wait_dma2 semaphore(%run_scoped3A : memref<!tpu.dma_semaphore, #tpu.memory_space<semaphore_mem>>) src(%dma_wait3A_14 : memref<2560xi32, #tpu.memory_space<hbm>>) dst(%arg5 : memref<2560xi32, #tpu.memory_space<vmem>>)
      tpu.yield
    }) : () -> ()
    %while3A = arith.constant 0 : i32
    %while3A_3 = arith.constant 0 : i32
    %while3A_4 = arith.constant 32 : i32
    %while3A_5 = arith.subi %while3A_4, %while3A_3 : i32
    %while3A_6 = arith.addi %while3A_3, %while3A_5 : i32
    %while3A_7 = arith.constant 1 : i32
    %while3A_8 = arith.divsi %while3A_5, %while3A_7 : i32
    %while3A_9 = arith.muli %while3A_8, %while3A_7 : i32
    %while3A_10 = arith.addi %while3A_3, %while3A_9 : i32
    %while3A_11 = arith.constant 1 : i32
    scf.for %while3A_13 = %while3A_3 to %while3A_10 step %while3A_11  : i32 {
      %mul3A_14 = arith.constant 80 : i32
      %mul3A_15 = arith.muli %while3A_13, %mul3A_14 : i32
      %dma_start3A = tpu.memref_slice %arg5[%mul3A_15] : memref<2560xi32, #tpu.memory_space<vmem>> -> memref<80xi32, #tpu.memory_space<vmem>>
      %dma_start3A_16 = arith.constant 0 : i32
      %dma_start3A_17 = arith.constant 0 : i32
      %dma_start3A_18 = tpu.memref_slice %arg3[%dma_start3A_16, %dma_start3A_17] : memref<4096x128xf32, #tpu.memory_space<hbm>> -> memref<4096x128xf32, #tpu.memory_space<hbm>>
      tpu.enqueue_indirect_dma source(%dma_start3A_18 : memref<4096x128xf32, #tpu.memory_space<hbm>>) target(%arg6 : memref<80x128xf32, #tpu.memory_space<vmem>>) offsets(%dma_start3A : memref<80xi32, #tpu.memory_space<vmem>>) semaphore(%arg7 : memref<!tpu.dma_semaphore, #tpu.memory_space<semaphore_mem>>)
      %dma_wait3A = tpu.memref_slice %arg5[%mul3A_15] : memref<2560xi32, #tpu.memory_space<vmem>> -> memref<80xi32, #tpu.memory_space<vmem>>
      %dma_wait3A_19 = arith.constant 0 : i32
      %dma_wait3A_20 = arith.constant 0 : i32
      %dma_wait3A_21 = tpu.memref_slice %arg3[%dma_wait3A_19, %dma_wait3A_20] : memref<4096x128xf32, #tpu.memory_space<hbm>> -> memref<4096x128xf32, #tpu.memory_space<hbm>>
      tpu.wait_indirect_dma semaphore(%arg7 : memref<!tpu.dma_semaphore, #tpu.memory_space<semaphore_mem>>) src(%dma_wait3A_21 : memref<4096x128xf32, #tpu.memory_space<hbm>>) dst(%arg6 : memref<80x128xf32, #tpu.memory_space<vmem>>)
      %add3A_22 = arith.addi %mul3A_2, %mul3A_15 : i32
      "tpu.region"() ({
        %run_scoped3A = tpu.sem_alloc : memref<!tpu.dma_semaphore, #tpu.memory_space<semaphore_mem>>
        %dma_start3A_23 = arith.constant 0 : i32
        %dma_start3A_24 = tpu.memref_slice %arg4[%add3A_22, %dma_start3A_23] : memref<81920x128xf32, #tpu.memory_space<hbm>> -> memref<80x128xf32, #tpu.memory_space<hbm>>
        %dma_start3A_25 = arith.constant 0 : i32
        %dma_start3A_26 = tpu.memref_slice %arg4[%add3A_22, %dma_start3A_25] : memref<81920x128xf32, #tpu.memory_space<hbm>> -> memref<80x128xf32, #tpu.memory_space<hbm>>
        tpu.enqueue_dma source(%arg6 : memref<80x128xf32, #tpu.memory_space<vmem>>) target(%dma_start3A_26 : memref<80x128xf32, #tpu.memory_space<hbm>>) target_semaphore(%run_scoped3A : memref<!tpu.dma_semaphore, #tpu.memory_space<semaphore_mem>>)
        %dma_wait3A_27 = arith.constant 0 : i32
        %dma_wait3A_28 = tpu.memref_slice %arg4[%add3A_22, %dma_wait3A_27] : memref<81920x128xf32, #tpu.memory_space<hbm>> -> memref<80x128xf32, #tpu.memory_space<hbm>>
        %dma_wait3A_29 = arith.constant 0 : i32
        %dma_wait3A_30 = tpu.memref_slice %arg4[%add3A_22, %dma_wait3A_29] : memref<81920x128xf32, #tpu.memory_space<hbm>> -> memref<80x128xf32, #tpu.memory_space<hbm>>
        tpu.wait_dma2 semaphore(%run_scoped3A : memref<!tpu.dma_semaphore, #tpu.memory_space<semaphore_mem>>) src(%arg6 : memref<80x128xf32, #tpu.memory_space<vmem>>) dst(%dma_wait3A_30 : memref<80x128xf32, #tpu.memory_space<hbm>>)
        tpu.yield
      }) : () -> ()
    }
    %while3A_12 = arith.constant 1 : i32
    scf.for %while3A_13 = %while3A_10 to %while3A_6 step %while3A_12  : i32 {
      %mul3A_14 = arith.constant 80 : i32
      %mul3A_15 = arith.muli %while3A_13, %mul3A_14 : i32
      %dma_start3A = tpu.memref_slice %arg5[%mul3A_15] : memref<2560xi32, #tpu.memory_space<vmem>> -> memref<80xi32, #tpu.memory_space<vmem>>
      %dma_start3A_16 = arith.constant 0 : i32
      %dma_start3A_17 = arith.constant 0 : i32
      %dma_start3A_18 = tpu.memref_slice %arg3[%dma_start3A_16, %dma_start3A_17] : memref<4096x128xf32, #tpu.memory_space<hbm>> -> memref<4096x128xf32, #tpu.memory_space<hbm>>
      tpu.enqueue_indirect_dma source(%dma_start3A_18 : memref<4096x128xf32, #tpu.memory_space<hbm>>) target(%arg6 : memref<80x128xf32, #tpu.memory_space<vmem>>) offsets(%dma_start3A : memref<80xi32, #tpu.memory_space<vmem>>) semaphore(%arg7 : memref<!tpu.dma_semaphore, #tpu.memory_space<semaphore_mem>>)
      %dma_wait3A = tpu.memref_slice %arg5[%mul3A_15] : memref<2560xi32, #tpu.memory_space<vmem>> -> memref<80xi32, #tpu.memory_space<vmem>>
      %dma_wait3A_19 = arith.constant 0 : i32
      %dma_wait3A_20 = arith.constant 0 : i32
      %dma_wait3A_21 = tpu.memref_slice %arg3[%dma_wait3A_19, %dma_wait3A_20] : memref<4096x128xf32, #tpu.memory_space<hbm>> -> memref<4096x128xf32, #tpu.memory_space<hbm>>
      tpu.wait_indirect_dma semaphore(%arg7 : memref<!tpu.dma_semaphore, #tpu.memory_space<semaphore_mem>>) src(%dma_wait3A_21 : memref<4096x128xf32, #tpu.memory_space<hbm>>) dst(%arg6 : memref<80x128xf32, #tpu.memory_space<vmem>>)
      %add3A_22 = arith.addi %mul3A_2, %mul3A_15 : i32
      "tpu.region"() ({
        %run_scoped3A = tpu.sem_alloc : memref<!tpu.dma_semaphore, #tpu.memory_space<semaphore_mem>>
        %dma_start3A_23 = arith.constant 0 : i32
        %dma_start3A_24 = tpu.memref_slice %arg4[%add3A_22, %dma_start3A_23] : memref<81920x128xf32, #tpu.memory_space<hbm>> -> memref<80x128xf32, #tpu.memory_space<hbm>>
        %dma_start3A_25 = arith.constant 0 : i32
        %dma_start3A_26 = tpu.memref_slice %arg4[%add3A_22, %dma_start3A_25] : memref<81920x128xf32, #tpu.memory_space<hbm>> -> memref<80x128xf32, #tpu.memory_space<hbm>>
        tpu.enqueue_dma source(%arg6 : memref<80x128xf32, #tpu.memory_space<vmem>>) target(%dma_start3A_26 : memref<80x128xf32, #tpu.memory_space<hbm>>) target_semaphore(%run_scoped3A : memref<!tpu.dma_semaphore, #tpu.memory_space<semaphore_mem>>)
        %dma_wait3A_27 = arith.constant 0 : i32
        %dma_wait3A_28 = tpu.memref_slice %arg4[%add3A_22, %dma_wait3A_27] : memref<81920x128xf32, #tpu.memory_space<hbm>> -> memref<80x128xf32, #tpu.memory_space<hbm>>
        %dma_wait3A_29 = arith.constant 0 : i32
        %dma_wait3A_30 = tpu.memref_slice %arg4[%add3A_22, %dma_wait3A_29] : memref<81920x128xf32, #tpu.memory_space<hbm>> -> memref<80x128xf32, #tpu.memory_space<hbm>>
        tpu.wait_dma2 semaphore(%run_scoped3A : memref<!tpu.dma_semaphore, #tpu.memory_space<semaphore_mem>>) src(%arg6 : memref<80x128xf32, #tpu.memory_space<vmem>>) dst(%dma_wait3A_30 : memref<80x128xf32, #tpu.memory_space<hbm>>)
        tpu.yield
      }) : () -> ()
    }
    return
  }
}

#map = affine_map<(d0, d1) -> (0)>
#map1 = affine_map<(d0, d1) -> (0, 0)>
module attributes {stable_mosaic.version = 14 : i64} {
  func.func @gr(%arg0: i32, %arg1: i32, %arg2: memref<81920xi32, #tpu.memory_space<hbm>>, %arg3: memref<4096x128xf32, #tpu.memory_space<hbm>>, %arg4: memref<81920x128xf32, #tpu.memory_space<hbm>>, %arg5: memref<2560xi32, #tpu.memory_space<vmem>>, %arg6: memref<80x128xf32, #tpu.memory_space<vmem>>, %arg7: memref<!tpu.dma_semaphore, #tpu.memory_space<semaphore_mem>>) attributes {dimension_semantics = [#tpu.dimension_semantics<core_parallel>, #tpu.dimension_semantics<subcore_parallel>], iteration_bounds = array<i64: 2, 16>, scalar_prefetch = 0 : i64, scratch_operands = 3 : i64, tpu.core_type = #tpu.core_type<sc_vector_subcore>, window_params = [{transform_indices = #map}, {transform_indices = #map1}, {transform_indices = #map1}]} {
    %mul3A = arith.constant 2 : i32
    %mul3A_0 = arith.muli %arg1, %mul3A : i32
    %add3A = arith.addi %mul3A_0, %arg0 : i32
    %mul3A_1 = arith.constant 2560 : i32
    %mul3A_2 = arith.muli %add3A, %mul3A_1 : i32
    "tpu.region"() ({
      %run_scoped3A = tpu.sem_alloc : memref<!tpu.dma_semaphore, #tpu.memory_space<semaphore_mem>>
      %dma_start3A = tpu.memref_slice %arg2[%mul3A_2] : memref<81920xi32, #tpu.memory_space<hbm>> -> memref<2560xi32, #tpu.memory_space<hbm>>
      %dma_start3A_13 = tpu.memref_slice %arg2[%mul3A_2] : memref<81920xi32, #tpu.memory_space<hbm>> -> memref<2560xi32, #tpu.memory_space<hbm>>
      tpu.enqueue_dma source(%dma_start3A_13 : memref<2560xi32, #tpu.memory_space<hbm>>) target(%arg5 : memref<2560xi32, #tpu.memory_space<vmem>>) target_semaphore(%run_scoped3A : memref<!tpu.dma_semaphore, #tpu.memory_space<semaphore_mem>>)
      %dma_wait3A = tpu.memref_slice %arg2[%mul3A_2] : memref<81920xi32, #tpu.memory_space<hbm>> -> memref<2560xi32, #tpu.memory_space<hbm>>
      %dma_wait3A_14 = tpu.memref_slice %arg2[%mul3A_2] : memref<81920xi32, #tpu.memory_space<hbm>> -> memref<2560xi32, #tpu.memory_space<hbm>>
      tpu.wait_dma2 semaphore(%run_scoped3A : memref<!tpu.dma_semaphore, #tpu.memory_space<semaphore_mem>>) src(%dma_wait3A_14 : memref<2560xi32, #tpu.memory_space<hbm>>) dst(%arg5 : memref<2560xi32, #tpu.memory_space<vmem>>)
      tpu.yield
    }) : () -> ()
    %while3A = arith.constant 0 : i32
    %while3A_3 = arith.constant 0 : i32
    %while3A_4 = arith.constant 32 : i32
    %while3A_5 = arith.subi %while3A_4, %while3A_3 : i32
    %while3A_6 = arith.addi %while3A_3, %while3A_5 : i32
    %while3A_7 = arith.constant 1 : i32
    %while3A_8 = arith.divsi %while3A_5, %while3A_7 : i32
    %while3A_9 = arith.muli %while3A_8, %while3A_7 : i32
    %while3A_10 = arith.addi %while3A_3, %while3A_9 : i32
    %while3A_11 = arith.constant 1 : i32
    scf.for %while3A_13 = %while3A_3 to %while3A_10 step %while3A_11  : i32 {
      %mul3A_14 = arith.constant 80 : i32
      %mul3A_15 = arith.muli %while3A_13, %mul3A_14 : i32
      %dma_start3A = tpu.memref_slice %arg5[%mul3A_15] : memref<2560xi32, #tpu.memory_space<vmem>> -> memref<80xi32, #tpu.memory_space<vmem>>
      %dma_start3A_16 = arith.constant 0 : i32
      %dma_start3A_17 = arith.constant 0 : i32
      %dma_start3A_18 = tpu.memref_slice %arg3[%dma_start3A_16, %dma_start3A_17] : memref<4096x128xf32, #tpu.memory_space<hbm>> -> memref<4096x128xf32, #tpu.memory_space<hbm>>
      tpu.enqueue_indirect_dma source(%dma_start3A_18 : memref<4096x128xf32, #tpu.memory_space<hbm>>) target(%arg6 : memref<80x128xf32, #tpu.memory_space<vmem>>) offsets(%dma_start3A : memref<80xi32, #tpu.memory_space<vmem>>) semaphore(%arg7 : memref<!tpu.dma_semaphore, #tpu.memory_space<semaphore_mem>>)
      %dma_wait3A = tpu.memref_slice %arg5[%mul3A_15] : memref<2560xi32, #tpu.memory_space<vmem>> -> memref<80xi32, #tpu.memory_space<vmem>>
      %dma_wait3A_19 = arith.constant 0 : i32
      %dma_wait3A_20 = arith.constant 0 : i32
      %dma_wait3A_21 = tpu.memref_slice %arg3[%dma_wait3A_19, %dma_wait3A_20] : memref<4096x128xf32, #tpu.memory_space<hbm>> -> memref<4096x128xf32, #tpu.memory_space<hbm>>
      tpu.wait_indirect_dma semaphore(%arg7 : memref<!tpu.dma_semaphore, #tpu.memory_space<semaphore_mem>>) src(%dma_wait3A_21 : memref<4096x128xf32, #tpu.memory_space<hbm>>) dst(%arg6 : memref<80x128xf32, #tpu.memory_space<vmem>>)
      %add3A_22 = arith.addi %mul3A_2, %mul3A_15 : i32
      "tpu.region"() ({
        %run_scoped3A = tpu.sem_alloc : memref<!tpu.dma_semaphore, #tpu.memory_space<semaphore_mem>>
        %dma_start3A_23 = arith.constant 0 : i32
        %dma_start3A_24 = tpu.memref_slice %arg4[%add3A_22, %dma_start3A_23] : memref<81920x128xf32, #tpu.memory_space<hbm>> -> memref<80x128xf32, #tpu.memory_space<hbm>>
        %dma_start3A_25 = arith.constant 0 : i32
        %dma_start3A_26 = tpu.memref_slice %arg4[%add3A_22, %dma_start3A_25] : memref<81920x128xf32, #tpu.memory_space<hbm>> -> memref<80x128xf32, #tpu.memory_space<hbm>>
        tpu.enqueue_dma source(%arg6 : memref<80x128xf32, #tpu.memory_space<vmem>>) target(%dma_start3A_26 : memref<80x128xf32, #tpu.memory_space<hbm>>) target_semaphore(%run_scoped3A : memref<!tpu.dma_semaphore, #tpu.memory_space<semaphore_mem>>)
        %dma_wait3A_27 = arith.constant 0 : i32
        %dma_wait3A_28 = tpu.memref_slice %arg4[%add3A_22, %dma_wait3A_27] : memref<81920x128xf32, #tpu.memory_space<hbm>> -> memref<80x128xf32, #tpu.memory_space<hbm>>
        %dma_wait3A_29 = arith.constant 0 : i32
        %dma_wait3A_30 = tpu.memref_slice %arg4[%add3A_22, %dma_wait3A_29] : memref<81920x128xf32, #tpu.memory_space<hbm>> -> memref<80x128xf32, #tpu.memory_space<hbm>>
        tpu.wait_dma2 semaphore(%run_scoped3A : memref<!tpu.dma_semaphore, #tpu.memory_space<semaphore_mem>>) src(%arg6 : memref<80x128xf32, #tpu.memory_space<vmem>>) dst(%dma_wait3A_30 : memref<80x128xf32, #tpu.memory_space<hbm>>)
        tpu.yield
      }) : () -> ()
    }
    %while3A_12 = arith.constant 1 : i32
    scf.for %while3A_13 = %while3A_10 to %while3A_6 step %while3A_12  : i32 {
      %mul3A_14 = arith.constant 80 : i32
      %mul3A_15 = arith.muli %while3A_13, %mul3A_14 : i32
      %dma_start3A = tpu.memref_slice %arg5[%mul3A_15] : memref<2560xi32, #tpu.memory_space<vmem>> -> memref<80xi32, #tpu.memory_space<vmem>>
      %dma_start3A_16 = arith.constant 0 : i32
      %dma_start3A_17 = arith.constant 0 : i32
      %dma_start3A_18 = tpu.memref_slice %arg3[%dma_start3A_16, %dma_start3A_17] : memref<4096x128xf32, #tpu.memory_space<hbm>> -> memref<4096x128xf32, #tpu.memory_space<hbm>>
      tpu.enqueue_indirect_dma source(%dma_start3A_18 : memref<4096x128xf32, #tpu.memory_space<hbm>>) target(%arg6 : memref<80x128xf32, #tpu.memory_space<vmem>>) offsets(%dma_start3A : memref<80xi32, #tpu.memory_space<vmem>>) semaphore(%arg7 : memref<!tpu.dma_semaphore, #tpu.memory_space<semaphore_mem>>)
      %dma_wait3A = tpu.memref_slice %arg5[%mul3A_15] : memref<2560xi32, #tpu.memory_space<vmem>> -> memref<80xi32, #tpu.memory_space<vmem>>
      %dma_wait3A_19 = arith.constant 0 : i32
      %dma_wait3A_20 = arith.constant 0 : i32
      %dma_wait3A_21 = tpu.memref_slice %arg3[%dma_wait3A_19, %dma_wait3A_20] : memref<4096x128xf32, #tpu.memory_space<hbm>> -> memref<4096x128xf32, #tpu.memory_space<hbm>>
      tpu.wait_indirect_dma semaphore(%arg7 : memref<!tpu.dma_semaphore, #tpu.memory_space<semaphore_mem>>) src(%dma_wait3A_21 : memref<4096x128xf32, #tpu.memory_space<hbm>>) dst(%arg6 : memref<80x128xf32, #tpu.memory_space<vmem>>)
      %add3A_22 = arith.addi %mul3A_2, %mul3A_15 : i32
      "tpu.region"() ({
        %run_scoped3A = tpu.sem_alloc : memref<!tpu.dma_semaphore, #tpu.memory_space<semaphore_mem>>
        %dma_start3A_23 = arith.constant 0 : i32
        %dma_start3A_24 = tpu.memref_slice %arg4[%add3A_22, %dma_start3A_23] : memref<81920x128xf32, #tpu.memory_space<hbm>> -> memref<80x128xf32, #tpu.memory_space<hbm>>
        %dma_start3A_25 = arith.constant 0 : i32
        %dma_start3A_26 = tpu.memref_slice %arg4[%add3A_22, %dma_start3A_25] : memref<81920x128xf32, #tpu.memory_space<hbm>> -> memref<80x128xf32, #tpu.memory_space<hbm>>
        tpu.enqueue_dma source(%arg6 : memref<80x128xf32, #tpu.memory_space<vmem>>) target(%dma_start3A_26 : memref<80x128xf32, #tpu.memory_space<hbm>>) target_semaphore(%run_scoped3A : memref<!tpu.dma_semaphore, #tpu.memory_space<semaphore_mem>>)
        %dma_wait3A_27 = arith.constant 0 : i32
        %dma_wait3A_28 = tpu.memref_slice %arg4[%add3A_22, %dma_wait3A_27] : memref<81920x128xf32, #tpu.memory_space<hbm>> -> memref<80x128xf32, #tpu.memory_space<hbm>>
        %dma_wait3A_29 = arith.constant 0 : i32
        %dma_wait3A_30 = tpu.memref_slice %arg4[%add3A_22, %dma_wait3A_29] : memref<81920x128xf32, #tpu.memory_space<hbm>> -> memref<80x128xf32, #tpu.memory_space<hbm>>
        tpu.wait_dma2 semaphore(%run_scoped3A : memref<!tpu.dma_semaphore, #tpu.memory_space<semaphore_mem>>) src(%arg6 : memref<80x128xf32, #tpu.memory_space<vmem>>) dst(%dma_wait3A_30 : memref<80x128xf32, #tpu.memory_space<hbm>>)
        tpu.yield
      }) : () -> ()
    }
    return
  }
}

module attributes {stable_mosaic.version = 14 : i64} {
  func.func @_topk_body(%arg0: i32, %arg1: i32, %arg2: memref<1x512x1024xf32, #tpu.memory_space<vmem>>, %arg3: memref<1x512x20xi32, #tpu.memory_space<vmem>>) attributes {dimension_semantics = [#tpu.dimension_semantics<arbitrary>, #tpu.dimension_semantics<arbitrary>], iteration_bounds = array<i64: 4, 2>, scalar_prefetch = 0 : i64, scratch_operands = 0 : i64, tpu.core_type = #tpu.core_type<tc>, window_params = [{transform_indices = @transform_0, window_bounds = array<i64: 1, 512, 1024>}, {transform_indices = @transform_1, window_bounds = array<i64: 1, 512, 20>}]} {
    %get3A = arith.constant 0 : index
    %get3A_0 = arith.constant 0 : index
    %get3A_1 = arith.constant 0 : index
    %get3A_2 = vector.load %arg2[%get3A, %get3A_0, %get3A_1] : memref<1x512x1024xf32, #tpu.memory_space<vmem>>, vector<1x512x1024xf32>
    %get3A_3 = vector.shape_cast %get3A_2 : vector<1x512x1024xf32> to vector<512x1024xf32>
    %iota3A = tpu.iota {dimensions = array<i32: 1>} : vector<512x1024xi32>
    %reduce_max3A = arith.constant dense<0xFF800000> : vector<512xf32>
    %reduce_max3A_4 = vector.multi_reduction <maximumf>, %get3A_3, %reduce_max3A [1] : vector<512x1024xf32> to vector<512xf32>
    %broadcast_in_dim3A = vector.shape_cast %reduce_max3A_4 : vector<512xf32> to vector<512x1xf32>
    %eq3A = vector.broadcast %broadcast_in_dim3A : vector<512x1xf32> to vector<512x1024xf32>
    %eq3A_5 = arith.cmpf oeq, %get3A_3, %eq3A : vector<512x1024xf32>
    %jit3A = arith.constant 1024 : i32
    %broadcast_in_dim3A_6 = vector.broadcast %jit3A : i32 to vector<512x1024xi32>
    %select_n3A = arith.select %eq3A_5, %iota3A, %broadcast_in_dim3A_6 : vector<512x1024xi1>, vector<512x1024xi32>
    %reduce_min3A = arith.constant dense<2147483647> : vector<512xi32>
    %reduce_min3A_7 = vector.multi_reduction <minsi>, %select_n3A, %reduce_min3A [1] : vector<512x1024xi32> to vector<512xi32>
    %broadcast_in_dim3A_8 = vector.shape_cast %reduce_min3A_7 : vector<512xi32> to vector<512x1xi32>
    %eq3A_9 = vector.broadcast %broadcast_in_dim3A_8 : vector<512x1xi32> to vector<512x1024xi32>
    %eq3A_10 = arith.cmpi eq, %iota3A, %eq3A_9 : vector<512x1024xi32>
    %jit3A_11 = arith.constant 0xFF800000 : f32
    %broadcast_in_dim3A_12 = vector.broadcast %jit3A_11 : f32 to vector<512x1024xf32>
    %select_n3A_13 = arith.select %eq3A_10, %broadcast_in_dim3A_12, %get3A_3 : vector<512x1024xi1>, vector<512x1024xf32>
    %reduce_max3A_14 = arith.constant dense<0xFF800000> : vector<512xf32>
    %reduce_max3A_15 = vector.multi_reduction <maximumf>, %select_n3A_13, %reduce_max3A_14 [1] : vector<512x1024xf32> to vector<512xf32>
    %broadcast_in_dim3A_16 = vector.shape_cast %reduce_max3A_15 : vector<512xf32> to vector<512x1xf32>
    %eq3A_17 = vector.broadcast %broadcast_in_dim3A_16 : vector<512x1xf32> to vector<512x1024xf32>
    %eq3A_18 = arith.cmpf oeq, %select_n3A_13, %eq3A_17 : vector<512x1024xf32>
    %jit3A_19 = arith.constant 1024 : i32
    %broadcast_in_dim3A_20 = vector.broadcast %jit3A_19 : i32 to vector<512x1024xi32>
    %select_n3A_21 = arith.select %eq3A_18, %iota3A, %broadcast_in_dim3A_20 : vector<512x1024xi1>, vector<512x1024xi32>
    %reduce_min3A_22 = arith.constant dense<2147483647> : vector<512xi32>
    %reduce_min3A_23 = vector.multi_reduction <minsi>, %select_n3A_21, %reduce_min3A_22 [1] : vector<512x1024xi32> to vector<512xi32>
    %broadcast_in_dim3A_24 = vector.shape_cast %reduce_min3A_23 : vector<512xi32> to vector<512x1xi32>
    %eq3A_25 = vector.broadcast %broadcast_in_dim3A_24 : vector<512x1xi32> to vector<512x1024xi32>
    %eq3A_26 = arith.cmpi eq, %iota3A, %eq3A_25 : vector<512x1024xi32>
    %jit3A_27 = arith.constant 0xFF800000 : f32
    %broadcast_in_dim3A_28 = vector.broadcast %jit3A_27 : f32 to vector<512x1024xf32>
    %select_n3A_29 = arith.select %eq3A_26, %broadcast_in_dim3A_28, %select_n3A_13 : vector<512x1024xi1>, vector<512x1024xf32>
    %reduce_max3A_30 = arith.constant dense<0xFF800000> : vector<512xf32>
    %reduce_max3A_31 = vector.multi_reduction <maximumf>, %select_n3A_29, %reduce_max3A_30 [1] : vector<512x1024xf32> to vector<512xf32>
    %broadcast_in_dim3A_32 = vector.shape_cast %reduce_max3A_31 : vector<512xf32> to vector<512x1xf32>
    %eq3A_33 = vector.broadcast %broadcast_in_dim3A_32 : vector<512x1xf32> to vector<512x1024xf32>
    %eq3A_34 = arith.cmpf oeq, %select_n3A_29, %eq3A_33 : vector<512x1024xf32>
    %jit3A_35 = arith.constant 1024 : i32
    %broadcast_in_dim3A_36 = vector.broadcast %jit3A_35 : i32 to vector<512x1024xi32>
    %select_n3A_37 = arith.select %eq3A_34, %iota3A, %broadcast_in_dim3A_36 : vector<512x1024xi1>, vector<512x1024xi32>
    %reduce_min3A_38 = arith.constant dense<2147483647> : vector<512xi32>
    %reduce_min3A_39 = vector.multi_reduction <minsi>, %select_n3A_37, %reduce_min3A_38 [1] : vector<512x1024xi32> to vector<512xi32>
    %broadcast_in_dim3A_40 = vector.shape_cast %reduce_min3A_39 : vector<512xi32> to vector<512x1xi32>
    %eq3A_41 = vector.broadcast %broadcast_in_dim3A_40 : vector<512x1xi32> to vector<512x1024xi32>
    %eq3A_42 = arith.cmpi eq, %iota3A, %eq3A_41 : vector<512x1024xi32>
    %jit3A_43 = arith.constant 0xFF800000 : f32
    %broadcast_in_dim3A_44 = vector.broadcast %jit3A_43 : f32 to vector<512x1024xf32>
    %select_n3A_45 = arith.select %eq3A_42, %broadcast_in_dim3A_44, %select_n3A_29 : vector<512x1024xi1>, vector<512x1024xf32>
    %reduce_max3A_46 = arith.constant dense<0xFF800000> : vector<512xf32>
    %reduce_max3A_47 = vector.multi_reduction <maximumf>, %select_n3A_45, %reduce_max3A_46 [1] : vector<512x1024xf32> to vector<512xf32>
    %broadcast_in_dim3A_48 = vector.shape_cast %reduce_max3A_47 : vector<512xf32> to vector<512x1xf32>
    %eq3A_49 = vector.broadcast %broadcast_in_dim3A_48 : vector<512x1xf32> to vector<512x1024xf32>
    %eq3A_50 = arith.cmpf oeq, %select_n3A_45, %eq3A_49 : vector<512x1024xf32>
    %jit3A_51 = arith.constant 1024 : i32
    %broadcast_in_dim3A_52 = vector.broadcast %jit3A_51 : i32 to vector<512x1024xi32>
    %select_n3A_53 = arith.select %eq3A_50, %iota3A, %broadcast_in_dim3A_52 : vector<512x1024xi1>, vector<512x1024xi32>
    %reduce_min3A_54 = arith.constant dense<2147483647> : vector<512xi32>
    %reduce_min3A_55 = vector.multi_reduction <minsi>, %select_n3A_53, %reduce_min3A_54 [1] : vector<512x1024xi32> to vector<512xi32>
    %broadcast_in_dim3A_56 = vector.shape_cast %reduce_min3A_55 : vector<512xi32> to vector<512x1xi32>
    %eq3A_57 = vector.broadcast %broadcast_in_dim3A_56 : vector<512x1xi32> to vector<512x1024xi32>
    %eq3A_58 = arith.cmpi eq, %iota3A, %eq3A_57 : vector<512x1024xi32>
    %jit3A_59 = arith.constant 0xFF800000 : f32
    %broadcast_in_dim3A_60 = vector.broadcast %jit3A_59 : f32 to vector<512x1024xf32>
    %select_n3A_61 = arith.select %eq3A_58, %broadcast_in_dim3A_60, %select_n3A_45 : vector<512x1024xi1>, vector<512x1024xf32>
    %reduce_max3A_62 = arith.constant dense<0xFF800000> : vector<512xf32>
    %reduce_max3A_63 = vector.multi_reduction <maximumf>, %select_n3A_61, %reduce_max3A_62 [1] : vector<512x1024xf32> to vector<512xf32>
    %broadcast_in_dim3A_64 = vector.shape_cast %reduce_max3A_63 : vector<512xf32> to vector<512x1xf32>
    %eq3A_65 = vector.broadcast %broadcast_in_dim3A_64 : vector<512x1xf32> to vector<512x1024xf32>
    %eq3A_66 = arith.cmpf oeq, %select_n3A_61, %eq3A_65 : vector<512x1024xf32>
    %jit3A_67 = arith.constant 1024 : i32
    %broadcast_in_dim3A_68 = vector.broadcast %jit3A_67 : i32 to vector<512x1024xi32>
    %select_n3A_69 = arith.select %eq3A_66, %iota3A, %broadcast_in_dim3A_68 : vector<512x1024xi1>, vector<512x1024xi32>
    %reduce_min3A_70 = arith.constant dense<2147483647> : vector<512xi32>
    %reduce_min3A_71 = vector.multi_reduction <minsi>, %select_n3A_69, %reduce_min3A_70 [1] : vector<512x1024xi32> to vector<512xi32>
    %broadcast_in_dim3A_72 = vector.shape_cast %reduce_min3A_71 : vector<512xi32> to vector<512x1xi32>
    %eq3A_73 = vector.broadcast %broadcast_in_dim3A_72 : vector<512x1xi32> to vector<512x1024xi32>
    %eq3A_74 = arith.cmpi eq, %iota3A, %eq3A_73 : vector<512x1024xi32>
    %jit3A_75 = arith.constant 0xFF800000 : f32
    %broadcast_in_dim3A_76 = vector.broadcast %jit3A_75 : f32 to vector<512x1024xf32>
    %select_n3A_77 = arith.select %eq3A_74, %broadcast_in_dim3A_76, %select_n3A_61 : vector<512x1024xi1>, vector<512x1024xf32>
    %reduce_max3A_78 = arith.constant dense<0xFF800000> : vector<512xf32>
    %reduce_max3A_79 = vector.multi_reduction <maximumf>, %select_n3A_77, %reduce_max3A_78 [1] : vector<512x1024xf32> to vector<512xf32>
    %broadcast_in_dim3A_80 = vector.shape_cast %reduce_max3A_79 : vector<512xf32> to vector<512x1xf32>
    %eq3A_81 = vector.broadcast %broadcast_in_dim3A_80 : vector<512x1xf32> to vector<512x1024xf32>
    %eq3A_82 = arith.cmpf oeq, %select_n3A_77, %eq3A_81 : vector<512x1024xf32>
    %jit3A_83 = arith.constant 1024 : i32
    %broadcast_in_dim3A_84 = vector.broadcast %jit3A_83 : i32 to vector<512x1024xi32>
    %select_n3A_85 = arith.select %eq3A_82, %iota3A, %broadcast_in_dim3A_84 : vector<512x1024xi1>, vector<512x1024xi32>
    %reduce_min3A_86 = arith.constant dense<2147483647> : vector<512xi32>
    %reduce_min3A_87 = vector.multi_reduction <minsi>, %select_n3A_85, %reduce_min3A_86 [1] : vector<512x1024xi32> to vector<512xi32>
    %broadcast_in_dim3A_88 = vector.shape_cast %reduce_min3A_87 : vector<512xi32> to vector<512x1xi32>
    %eq3A_89 = vector.broadcast %broadcast_in_dim3A_88 : vector<512x1xi32> to vector<512x1024xi32>
    %eq3A_90 = arith.cmpi eq, %iota3A, %eq3A_89 : vector<512x1024xi32>
    %jit3A_91 = arith.constant 0xFF800000 : f32
    %broadcast_in_dim3A_92 = vector.broadcast %jit3A_91 : f32 to vector<512x1024xf32>
    %select_n3A_93 = arith.select %eq3A_90, %broadcast_in_dim3A_92, %select_n3A_77 : vector<512x1024xi1>, vector<512x1024xf32>
    %reduce_max3A_94 = arith.constant dense<0xFF800000> : vector<512xf32>
    %reduce_max3A_95 = vector.multi_reduction <maximumf>, %select_n3A_93, %reduce_max3A_94 [1] : vector<512x1024xf32> to vector<512xf32>
    %broadcast_in_dim3A_96 = vector.shape_cast %reduce_max3A_95 : vector<512xf32> to vector<512x1xf32>
    %eq3A_97 = vector.broadcast %broadcast_in_dim3A_96 : vector<512x1xf32> to vector<512x1024xf32>
    %eq3A_98 = arith.cmpf oeq, %select_n3A_93, %eq3A_97 : vector<512x1024xf32>
    %jit3A_99 = arith.constant 1024 : i32
    %broadcast_in_dim3A_100 = vector.broadcast %jit3A_99 : i32 to vector<512x1024xi32>
    %select_n3A_101 = arith.select %eq3A_98, %iota3A, %broadcast_in_dim3A_100 : vector<512x1024xi1>, vector<512x1024xi32>
    %reduce_min3A_102 = arith.constant dense<2147483647> : vector<512xi32>
    %reduce_min3A_103 = vector.multi_reduction <minsi>, %select_n3A_101, %reduce_min3A_102 [1] : vector<512x1024xi32> to vector<512xi32>
    %broadcast_in_dim3A_104 = vector.shape_cast %reduce_min3A_103 : vector<512xi32> to vector<512x1xi32>
    %eq3A_105 = vector.broadcast %broadcast_in_dim3A_104 : vector<512x1xi32> to vector<512x1024xi32>
    %eq3A_106 = arith.cmpi eq, %iota3A, %eq3A_105 : vector<512x1024xi32>
    %jit3A_107 = arith.constant 0xFF800000 : f32
    %broadcast_in_dim3A_108 = vector.broadcast %jit3A_107 : f32 to vector<512x1024xf32>
    %select_n3A_109 = arith.select %eq3A_106, %broadcast_in_dim3A_108, %select_n3A_93 : vector<512x1024xi1>, vector<512x1024xf32>
    %reduce_max3A_110 = arith.constant dense<0xFF800000> : vector<512xf32>
    %reduce_max3A_111 = vector.multi_reduction <maximumf>, %select_n3A_109, %reduce_max3A_110 [1] : vector<512x1024xf32> to vector<512xf32>
    %broadcast_in_dim3A_112 = vector.shape_cast %reduce_max3A_111 : vector<512xf32> to vector<512x1xf32>
    %eq3A_113 = vector.broadcast %broadcast_in_dim3A_112 : vector<512x1xf32> to vector<512x1024xf32>
    %eq3A_114 = arith.cmpf oeq, %select_n3A_109, %eq3A_113 : vector<512x1024xf32>
    %jit3A_115 = arith.constant 1024 : i32
    %broadcast_in_dim3A_116 = vector.broadcast %jit3A_115 : i32 to vector<512x1024xi32>
    %select_n3A_117 = arith.select %eq3A_114, %iota3A, %broadcast_in_dim3A_116 : vector<512x1024xi1>, vector<512x1024xi32>
    %reduce_min3A_118 = arith.constant dense<2147483647> : vector<512xi32>
    %reduce_min3A_119 = vector.multi_reduction <minsi>, %select_n3A_117, %reduce_min3A_118 [1] : vector<512x1024xi32> to vector<512xi32>
    %broadcast_in_dim3A_120 = vector.shape_cast %reduce_min3A_119 : vector<512xi32> to vector<512x1xi32>
    %eq3A_121 = vector.broadcast %broadcast_in_dim3A_120 : vector<512x1xi32> to vector<512x1024xi32>
    %eq3A_122 = arith.cmpi eq, %iota3A, %eq3A_121 : vector<512x1024xi32>
    %jit3A_123 = arith.constant 0xFF800000 : f32
    %broadcast_in_dim3A_124 = vector.broadcast %jit3A_123 : f32 to vector<512x1024xf32>
    %select_n3A_125 = arith.select %eq3A_122, %broadcast_in_dim3A_124, %select_n3A_109 : vector<512x1024xi1>, vector<512x1024xf32>
    %reduce_max3A_126 = arith.constant dense<0xFF800000> : vector<512xf32>
    %reduce_max3A_127 = vector.multi_reduction <maximumf>, %select_n3A_125, %reduce_max3A_126 [1] : vector<512x1024xf32> to vector<512xf32>
    %broadcast_in_dim3A_128 = vector.shape_cast %reduce_max3A_127 : vector<512xf32> to vector<512x1xf32>
    %eq3A_129 = vector.broadcast %broadcast_in_dim3A_128 : vector<512x1xf32> to vector<512x1024xf32>
    %eq3A_130 = arith.cmpf oeq, %select_n3A_125, %eq3A_129 : vector<512x1024xf32>
    %jit3A_131 = arith.constant 1024 : i32
    %broadcast_in_dim3A_132 = vector.broadcast %jit3A_131 : i32 to vector<512x1024xi32>
    %select_n3A_133 = arith.select %eq3A_130, %iota3A, %broadcast_in_dim3A_132 : vector<512x1024xi1>, vector<512x1024xi32>
    %reduce_min3A_134 = arith.constant dense<2147483647> : vector<512xi32>
    %reduce_min3A_135 = vector.multi_reduction <minsi>, %select_n3A_133, %reduce_min3A_134 [1] : vector<512x1024xi32> to vector<512xi32>
    %broadcast_in_dim3A_136 = vector.shape_cast %reduce_min3A_135 : vector<512xi32> to vector<512x1xi32>
    %eq3A_137 = vector.broadcast %broadcast_in_dim3A_136 : vector<512x1xi32> to vector<512x1024xi32>
    %eq3A_138 = arith.cmpi eq, %iota3A, %eq3A_137 : vector<512x1024xi32>
    %jit3A_139 = arith.constant 0xFF800000 : f32
    %broadcast_in_dim3A_140 = vector.broadcast %jit3A_139 : f32 to vector<512x1024xf32>
    %select_n3A_141 = arith.select %eq3A_138, %broadcast_in_dim3A_140, %select_n3A_125 : vector<512x1024xi1>, vector<512x1024xf32>
    %reduce_max3A_142 = arith.constant dense<0xFF800000> : vector<512xf32>
    %reduce_max3A_143 = vector.multi_reduction <maximumf>, %select_n3A_141, %reduce_max3A_142 [1] : vector<512x1024xf32> to vector<512xf32>
    %broadcast_in_dim3A_144 = vector.shape_cast %reduce_max3A_143 : vector<512xf32> to vector<512x1xf32>
    %eq3A_145 = vector.broadcast %broadcast_in_dim3A_144 : vector<512x1xf32> to vector<512x1024xf32>
    %eq3A_146 = arith.cmpf oeq, %select_n3A_141, %eq3A_145 : vector<512x1024xf32>
    %jit3A_147 = arith.constant 1024 : i32
    %broadcast_in_dim3A_148 = vector.broadcast %jit3A_147 : i32 to vector<512x1024xi32>
    %select_n3A_149 = arith.select %eq3A_146, %iota3A, %broadcast_in_dim3A_148 : vector<512x1024xi1>, vector<512x1024xi32>
    %reduce_min3A_150 = arith.constant dense<2147483647> : vector<512xi32>
    %reduce_min3A_151 = vector.multi_reduction <minsi>, %select_n3A_149, %reduce_min3A_150 [1] : vector<512x1024xi32> to vector<512xi32>
    %broadcast_in_dim3A_152 = vector.shape_cast %reduce_min3A_151 : vector<512xi32> to vector<512x1xi32>
    %eq3A_153 = vector.broadcast %broadcast_in_dim3A_152 : vector<512x1xi32> to vector<512x1024xi32>
    %eq3A_154 = arith.cmpi eq, %iota3A, %eq3A_153 : vector<512x1024xi32>
    %jit3A_155 = arith.constant 0xFF800000 : f32
    %broadcast_in_dim3A_156 = vector.broadcast %jit3A_155 : f32 to vector<512x1024xf32>
    %select_n3A_157 = arith.select %eq3A_154, %broadcast_in_dim3A_156, %select_n3A_141 : vector<512x1024xi1>, vector<512x1024xf32>
    %reduce_max3A_158 = arith.constant dense<0xFF800000> : vector<512xf32>
    %reduce_max3A_159 = vector.multi_reduction <maximumf>, %select_n3A_157, %reduce_max3A_158 [1] : vector<512x1024xf32> to vector<512xf32>
    %broadcast_in_dim3A_160 = vector.shape_cast %reduce_max3A_159 : vector<512xf32> to vector<512x1xf32>
    %eq3A_161 = vector.broadcast %broadcast_in_dim3A_160 : vector<512x1xf32> to vector<512x1024xf32>
    %eq3A_162 = arith.cmpf oeq, %select_n3A_157, %eq3A_161 : vector<512x1024xf32>
    %jit3A_163 = arith.constant 1024 : i32
    %broadcast_in_dim3A_164 = vector.broadcast %jit3A_163 : i32 to vector<512x1024xi32>
    %select_n3A_165 = arith.select %eq3A_162, %iota3A, %broadcast_in_dim3A_164 : vector<512x1024xi1>, vector<512x1024xi32>
    %reduce_min3A_166 = arith.constant dense<2147483647> : vector<512xi32>
    %reduce_min3A_167 = vector.multi_reduction <minsi>, %select_n3A_165, %reduce_min3A_166 [1] : vector<512x1024xi32> to vector<512xi32>
    %broadcast_in_dim3A_168 = vector.shape_cast %reduce_min3A_167 : vector<512xi32> to vector<512x1xi32>
    %eq3A_169 = vector.broadcast %broadcast_in_dim3A_168 : vector<512x1xi32> to vector<512x1024xi32>
    %eq3A_170 = arith.cmpi eq, %iota3A, %eq3A_169 : vector<512x1024xi32>
    %jit3A_171 = arith.constant 0xFF800000 : f32
    %broadcast_in_dim3A_172 = vector.broadcast %jit3A_171 : f32 to vector<512x1024xf32>
    %select_n3A_173 = arith.select %eq3A_170, %broadcast_in_dim3A_172, %select_n3A_157 : vector<512x1024xi1>, vector<512x1024xf32>
    %reduce_max3A_174 = arith.constant dense<0xFF800000> : vector<512xf32>
    %reduce_max3A_175 = vector.multi_reduction <maximumf>, %select_n3A_173, %reduce_max3A_174 [1] : vector<512x1024xf32> to vector<512xf32>
    %broadcast_in_dim3A_176 = vector.shape_cast %reduce_max3A_175 : vector<512xf32> to vector<512x1xf32>
    %eq3A_177 = vector.broadcast %broadcast_in_dim3A_176 : vector<512x1xf32> to vector<512x1024xf32>
    %eq3A_178 = arith.cmpf oeq, %select_n3A_173, %eq3A_177 : vector<512x1024xf32>
    %jit3A_179 = arith.constant 1024 : i32
    %broadcast_in_dim3A_180 = vector.broadcast %jit3A_179 : i32 to vector<512x1024xi32>
    %select_n3A_181 = arith.select %eq3A_178, %iota3A, %broadcast_in_dim3A_180 : vector<512x1024xi1>, vector<512x1024xi32>
    %reduce_min3A_182 = arith.constant dense<2147483647> : vector<512xi32>
    %reduce_min3A_183 = vector.multi_reduction <minsi>, %select_n3A_181, %reduce_min3A_182 [1] : vector<512x1024xi32> to vector<512xi32>
    %broadcast_in_dim3A_184 = vector.shape_cast %reduce_min3A_183 : vector<512xi32> to vector<512x1xi32>
    %eq3A_185 = vector.broadcast %broadcast_in_dim3A_184 : vector<512x1xi32> to vector<512x1024xi32>
    %eq3A_186 = arith.cmpi eq, %iota3A, %eq3A_185 : vector<512x1024xi32>
    %jit3A_187 = arith.constant 0xFF800000 : f32
    %broadcast_in_dim3A_188 = vector.broadcast %jit3A_187 : f32 to vector<512x1024xf32>
    %select_n3A_189 = arith.select %eq3A_186, %broadcast_in_dim3A_188, %select_n3A_173 : vector<512x1024xi1>, vector<512x1024xf32>
    %reduce_max3A_190 = arith.constant dense<0xFF800000> : vector<512xf32>
    %reduce_max3A_191 = vector.multi_reduction <maximumf>, %select_n3A_189, %reduce_max3A_190 [1] : vector<512x1024xf32> to vector<512xf32>
    %broadcast_in_dim3A_192 = vector.shape_cast %reduce_max3A_191 : vector<512xf32> to vector<512x1xf32>
    %eq3A_193 = vector.broadcast %broadcast_in_dim3A_192 : vector<512x1xf32> to vector<512x1024xf32>
    %eq3A_194 = arith.cmpf oeq, %select_n3A_189, %eq3A_193 : vector<512x1024xf32>
    %jit3A_195 = arith.constant 1024 : i32
    %broadcast_in_dim3A_196 = vector.broadcast %jit3A_195 : i32 to vector<512x1024xi32>
    %select_n3A_197 = arith.select %eq3A_194, %iota3A, %broadcast_in_dim3A_196 : vector<512x1024xi1>, vector<512x1024xi32>
    %reduce_min3A_198 = arith.constant dense<2147483647> : vector<512xi32>
    %reduce_min3A_199 = vector.multi_reduction <minsi>, %select_n3A_197, %reduce_min3A_198 [1] : vector<512x1024xi32> to vector<512xi32>
    %broadcast_in_dim3A_200 = vector.shape_cast %reduce_min3A_199 : vector<512xi32> to vector<512x1xi32>
    %eq3A_201 = vector.broadcast %broadcast_in_dim3A_200 : vector<512x1xi32> to vector<512x1024xi32>
    %eq3A_202 = arith.cmpi eq, %iota3A, %eq3A_201 : vector<512x1024xi32>
    %jit3A_203 = arith.constant 0xFF800000 : f32
    %broadcast_in_dim3A_204 = vector.broadcast %jit3A_203 : f32 to vector<512x1024xf32>
    %select_n3A_205 = arith.select %eq3A_202, %broadcast_in_dim3A_204, %select_n3A_189 : vector<512x1024xi1>, vector<512x1024xf32>
    %reduce_max3A_206 = arith.constant dense<0xFF800000> : vector<512xf32>
    %reduce_max3A_207 = vector.multi_reduction <maximumf>, %select_n3A_205, %reduce_max3A_206 [1] : vector<512x1024xf32> to vector<512xf32>
    %broadcast_in_dim3A_208 = vector.shape_cast %reduce_max3A_207 : vector<512xf32> to vector<512x1xf32>
    %eq3A_209 = vector.broadcast %broadcast_in_dim3A_208 : vector<512x1xf32> to vector<512x1024xf32>
    %eq3A_210 = arith.cmpf oeq, %select_n3A_205, %eq3A_209 : vector<512x1024xf32>
    %jit3A_211 = arith.constant 1024 : i32
    %broadcast_in_dim3A_212 = vector.broadcast %jit3A_211 : i32 to vector<512x1024xi32>
    %select_n3A_213 = arith.select %eq3A_210, %iota3A, %broadcast_in_dim3A_212 : vector<512x1024xi1>, vector<512x1024xi32>
    %reduce_min3A_214 = arith.constant dense<2147483647> : vector<512xi32>
    %reduce_min3A_215 = vector.multi_reduction <minsi>, %select_n3A_213, %reduce_min3A_214 [1] : vector<512x1024xi32> to vector<512xi32>
    %broadcast_in_dim3A_216 = vector.shape_cast %reduce_min3A_215 : vector<512xi32> to vector<512x1xi32>
    %eq3A_217 = vector.broadcast %broadcast_in_dim3A_216 : vector<512x1xi32> to vector<512x1024xi32>
    %eq3A_218 = arith.cmpi eq, %iota3A, %eq3A_217 : vector<512x1024xi32>
    %jit3A_219 = arith.constant 0xFF800000 : f32
    %broadcast_in_dim3A_220 = vector.broadcast %jit3A_219 : f32 to vector<512x1024xf32>
    %select_n3A_221 = arith.select %eq3A_218, %broadcast_in_dim3A_220, %select_n3A_205 : vector<512x1024xi1>, vector<512x1024xf32>
    %reduce_max3A_222 = arith.constant dense<0xFF800000> : vector<512xf32>
    %reduce_max3A_223 = vector.multi_reduction <maximumf>, %select_n3A_221, %reduce_max3A_222 [1] : vector<512x1024xf32> to vector<512xf32>
    %broadcast_in_dim3A_224 = vector.shape_cast %reduce_max3A_223 : vector<512xf32> to vector<512x1xf32>
    %eq3A_225 = vector.broadcast %broadcast_in_dim3A_224 : vector<512x1xf32> to vector<512x1024xf32>
    %eq3A_226 = arith.cmpf oeq, %select_n3A_221, %eq3A_225 : vector<512x1024xf32>
    %jit3A_227 = arith.constant 1024 : i32
    %broadcast_in_dim3A_228 = vector.broadcast %jit3A_227 : i32 to vector<512x1024xi32>
    %select_n3A_229 = arith.select %eq3A_226, %iota3A, %broadcast_in_dim3A_228 : vector<512x1024xi1>, vector<512x1024xi32>
    %reduce_min3A_230 = arith.constant dense<2147483647> : vector<512xi32>
    %reduce_min3A_231 = vector.multi_reduction <minsi>, %select_n3A_229, %reduce_min3A_230 [1] : vector<512x1024xi32> to vector<512xi32>
    %broadcast_in_dim3A_232 = vector.shape_cast %reduce_min3A_231 : vector<512xi32> to vector<512x1xi32>
    %eq3A_233 = vector.broadcast %broadcast_in_dim3A_232 : vector<512x1xi32> to vector<512x1024xi32>
    %eq3A_234 = arith.cmpi eq, %iota3A, %eq3A_233 : vector<512x1024xi32>
    %jit3A_235 = arith.constant 0xFF800000 : f32
    %broadcast_in_dim3A_236 = vector.broadcast %jit3A_235 : f32 to vector<512x1024xf32>
    %select_n3A_237 = arith.select %eq3A_234, %broadcast_in_dim3A_236, %select_n3A_221 : vector<512x1024xi1>, vector<512x1024xf32>
    %reduce_max3A_238 = arith.constant dense<0xFF800000> : vector<512xf32>
    %reduce_max3A_239 = vector.multi_reduction <maximumf>, %select_n3A_237, %reduce_max3A_238 [1] : vector<512x1024xf32> to vector<512xf32>
    %broadcast_in_dim3A_240 = vector.shape_cast %reduce_max3A_239 : vector<512xf32> to vector<512x1xf32>
    %eq3A_241 = vector.broadcast %broadcast_in_dim3A_240 : vector<512x1xf32> to vector<512x1024xf32>
    %eq3A_242 = arith.cmpf oeq, %select_n3A_237, %eq3A_241 : vector<512x1024xf32>
    %jit3A_243 = arith.constant 1024 : i32
    %broadcast_in_dim3A_244 = vector.broadcast %jit3A_243 : i32 to vector<512x1024xi32>
    %select_n3A_245 = arith.select %eq3A_242, %iota3A, %broadcast_in_dim3A_244 : vector<512x1024xi1>, vector<512x1024xi32>
    %reduce_min3A_246 = arith.constant dense<2147483647> : vector<512xi32>
    %reduce_min3A_247 = vector.multi_reduction <minsi>, %select_n3A_245, %reduce_min3A_246 [1] : vector<512x1024xi32> to vector<512xi32>
    %broadcast_in_dim3A_248 = vector.shape_cast %reduce_min3A_247 : vector<512xi32> to vector<512x1xi32>
    %eq3A_249 = vector.broadcast %broadcast_in_dim3A_248 : vector<512x1xi32> to vector<512x1024xi32>
    %eq3A_250 = arith.cmpi eq, %iota3A, %eq3A_249 : vector<512x1024xi32>
    %jit3A_251 = arith.constant 0xFF800000 : f32
    %broadcast_in_dim3A_252 = vector.broadcast %jit3A_251 : f32 to vector<512x1024xf32>
    %select_n3A_253 = arith.select %eq3A_250, %broadcast_in_dim3A_252, %select_n3A_237 : vector<512x1024xi1>, vector<512x1024xf32>
    %reduce_max3A_254 = arith.constant dense<0xFF800000> : vector<512xf32>
    %reduce_max3A_255 = vector.multi_reduction <maximumf>, %select_n3A_253, %reduce_max3A_254 [1] : vector<512x1024xf32> to vector<512xf32>
    %broadcast_in_dim3A_256 = vector.shape_cast %reduce_max3A_255 : vector<512xf32> to vector<512x1xf32>
    %eq3A_257 = vector.broadcast %broadcast_in_dim3A_256 : vector<512x1xf32> to vector<512x1024xf32>
    %eq3A_258 = arith.cmpf oeq, %select_n3A_253, %eq3A_257 : vector<512x1024xf32>
    %jit3A_259 = arith.constant 1024 : i32
    %broadcast_in_dim3A_260 = vector.broadcast %jit3A_259 : i32 to vector<512x1024xi32>
    %select_n3A_261 = arith.select %eq3A_258, %iota3A, %broadcast_in_dim3A_260 : vector<512x1024xi1>, vector<512x1024xi32>
    %reduce_min3A_262 = arith.constant dense<2147483647> : vector<512xi32>
    %reduce_min3A_263 = vector.multi_reduction <minsi>, %select_n3A_261, %reduce_min3A_262 [1] : vector<512x1024xi32> to vector<512xi32>
    %broadcast_in_dim3A_264 = vector.shape_cast %reduce_min3A_263 : vector<512xi32> to vector<512x1xi32>
    %eq3A_265 = vector.broadcast %broadcast_in_dim3A_264 : vector<512x1xi32> to vector<512x1024xi32>
    %eq3A_266 = arith.cmpi eq, %iota3A, %eq3A_265 : vector<512x1024xi32>
    %jit3A_267 = arith.constant 0xFF800000 : f32
    %broadcast_in_dim3A_268 = vector.broadcast %jit3A_267 : f32 to vector<512x1024xf32>
    %select_n3A_269 = arith.select %eq3A_266, %broadcast_in_dim3A_268, %select_n3A_253 : vector<512x1024xi1>, vector<512x1024xf32>
    %reduce_max3A_270 = arith.constant dense<0xFF800000> : vector<512xf32>
    %reduce_max3A_271 = vector.multi_reduction <maximumf>, %select_n3A_269, %reduce_max3A_270 [1] : vector<512x1024xf32> to vector<512xf32>
    %broadcast_in_dim3A_272 = vector.shape_cast %reduce_max3A_271 : vector<512xf32> to vector<512x1xf32>
    %eq3A_273 = vector.broadcast %broadcast_in_dim3A_272 : vector<512x1xf32> to vector<512x1024xf32>
    %eq3A_274 = arith.cmpf oeq, %select_n3A_269, %eq3A_273 : vector<512x1024xf32>
    %jit3A_275 = arith.constant 1024 : i32
    %broadcast_in_dim3A_276 = vector.broadcast %jit3A_275 : i32 to vector<512x1024xi32>
    %select_n3A_277 = arith.select %eq3A_274, %iota3A, %broadcast_in_dim3A_276 : vector<512x1024xi1>, vector<512x1024xi32>
    %reduce_min3A_278 = arith.constant dense<2147483647> : vector<512xi32>
    %reduce_min3A_279 = vector.multi_reduction <minsi>, %select_n3A_277, %reduce_min3A_278 [1] : vector<512x1024xi32> to vector<512xi32>
    %broadcast_in_dim3A_280 = vector.shape_cast %reduce_min3A_279 : vector<512xi32> to vector<512x1xi32>
    %eq3A_281 = vector.broadcast %broadcast_in_dim3A_280 : vector<512x1xi32> to vector<512x1024xi32>
    %eq3A_282 = arith.cmpi eq, %iota3A, %eq3A_281 : vector<512x1024xi32>
    %jit3A_283 = arith.constant 0xFF800000 : f32
    %broadcast_in_dim3A_284 = vector.broadcast %jit3A_283 : f32 to vector<512x1024xf32>
    %select_n3A_285 = arith.select %eq3A_282, %broadcast_in_dim3A_284, %select_n3A_269 : vector<512x1024xi1>, vector<512x1024xf32>
    %reduce_max3A_286 = arith.constant dense<0xFF800000> : vector<512xf32>
    %reduce_max3A_287 = vector.multi_reduction <maximumf>, %select_n3A_285, %reduce_max3A_286 [1] : vector<512x1024xf32> to vector<512xf32>
    %broadcast_in_dim3A_288 = vector.shape_cast %reduce_max3A_287 : vector<512xf32> to vector<512x1xf32>
    %eq3A_289 = vector.broadcast %broadcast_in_dim3A_288 : vector<512x1xf32> to vector<512x1024xf32>
    %eq3A_290 = arith.cmpf oeq, %select_n3A_285, %eq3A_289 : vector<512x1024xf32>
    %jit3A_291 = arith.constant 1024 : i32
    %broadcast_in_dim3A_292 = vector.broadcast %jit3A_291 : i32 to vector<512x1024xi32>
    %select_n3A_293 = arith.select %eq3A_290, %iota3A, %broadcast_in_dim3A_292 : vector<512x1024xi1>, vector<512x1024xi32>
    %reduce_min3A_294 = arith.constant dense<2147483647> : vector<512xi32>
    %reduce_min3A_295 = vector.multi_reduction <minsi>, %select_n3A_293, %reduce_min3A_294 [1] : vector<512x1024xi32> to vector<512xi32>
    %broadcast_in_dim3A_296 = vector.shape_cast %reduce_min3A_295 : vector<512xi32> to vector<512x1xi32>
    %eq3A_297 = vector.broadcast %broadcast_in_dim3A_296 : vector<512x1xi32> to vector<512x1024xi32>
    %eq3A_298 = arith.cmpi eq, %iota3A, %eq3A_297 : vector<512x1024xi32>
    %jit3A_299 = arith.constant 0xFF800000 : f32
    %broadcast_in_dim3A_300 = vector.broadcast %jit3A_299 : f32 to vector<512x1024xf32>
    %select_n3A_301 = arith.select %eq3A_298, %broadcast_in_dim3A_300, %select_n3A_285 : vector<512x1024xi1>, vector<512x1024xf32>
    %reduce_max3A_302 = arith.constant dense<0xFF800000> : vector<512xf32>
    %reduce_max3A_303 = vector.multi_reduction <maximumf>, %select_n3A_301, %reduce_max3A_302 [1] : vector<512x1024xf32> to vector<512xf32>
    %broadcast_in_dim3A_304 = vector.shape_cast %reduce_max3A_303 : vector<512xf32> to vector<512x1xf32>
    %eq3A_305 = vector.broadcast %broadcast_in_dim3A_304 : vector<512x1xf32> to vector<512x1024xf32>
    %eq3A_306 = arith.cmpf oeq, %select_n3A_301, %eq3A_305 : vector<512x1024xf32>
    %jit3A_307 = arith.constant 1024 : i32
    %broadcast_in_dim3A_308 = vector.broadcast %jit3A_307 : i32 to vector<512x1024xi32>
    %select_n3A_309 = arith.select %eq3A_306, %iota3A, %broadcast_in_dim3A_308 : vector<512x1024xi1>, vector<512x1024xi32>
    %reduce_min3A_310 = arith.constant dense<2147483647> : vector<512xi32>
    %reduce_min3A_311 = vector.multi_reduction <minsi>, %select_n3A_309, %reduce_min3A_310 [1] : vector<512x1024xi32> to vector<512xi32>
    %broadcast_in_dim3A_312 = vector.shape_cast %reduce_min3A_311 : vector<512xi32> to vector<512x1xi32>
    %concatenate3A = tpu.concatenate %broadcast_in_dim3A_8, %broadcast_in_dim3A_24, %broadcast_in_dim3A_40, %broadcast_in_dim3A_56, %broadcast_in_dim3A_72, %broadcast_in_dim3A_88, %broadcast_in_dim3A_104, %broadcast_in_dim3A_120, %broadcast_in_dim3A_136, %broadcast_in_dim3A_152, %broadcast_in_dim3A_168, %broadcast_in_dim3A_184, %broadcast_in_dim3A_200, %broadcast_in_dim3A_216, %broadcast_in_dim3A_232, %broadcast_in_dim3A_248, %broadcast_in_dim3A_264, %broadcast_in_dim3A_280, %broadcast_in_dim3A_296, %broadcast_in_dim3A_312 in 1 : vector<512x1xi32>, vector<512x1xi32>, vector<512x1xi32>, vector<512x1xi32>, vector<512x1xi32>, vector<512x1xi32>, vector<512x1xi32>, vector<512x1xi32>, vector<512x1xi32>, vector<512x1xi32>, vector<512x1xi32>, vector<512x1xi32>, vector<512x1xi32>, vector<512x1xi32>, vector<512x1xi32>, vector<512x1xi32>, vector<512x1xi32>, vector<512x1xi32>, vector<512x1xi32>, vector<512x1xi32> -> vector<512x20xi32>
    %mul3A = arith.constant 1024 : i32
    %mul3A_313 = arith.muli %arg0, %mul3A : i32
    %add3A = vector.broadcast %mul3A_313 : i32 to vector<512x20xi32>
    %add3A_314 = arith.addi %concatenate3A, %add3A : vector<512x20xi32>
    %swap3A = arith.constant 0 : index
    %swap3A_315 = arith.constant 0 : index
    %swap3A_316 = arith.constant 0 : index
    %swap3A_317 = vector.load %arg3[%swap3A, %swap3A_315, %swap3A_316] : memref<1x512x20xi32, #tpu.memory_space<vmem>>, vector<1x512x20xi32>
    %swap3A_318 = vector.shape_cast %swap3A_317 : vector<1x512x20xi32> to vector<512x20xi32>
    %swap3A_319 = vector.shape_cast %add3A_314 : vector<512x20xi32> to vector<1x512x20xi32>
    tpu.vector_store %arg3[%swap3A, %swap3A_315, %swap3A_316], %swap3A_319 {strides = array<i32>} : memref<1x512x20xi32, #tpu.memory_space<vmem>>, vector<1x512x20xi32>,
    return
  }
  func.func @transform_0(%arg0: i32, %arg1: i32) -> (i32, i32, i32) {
    %c0_i32 = arith.constant 0 : i32
    %c0_i32_0 = arith.constant 0 : i32
    return %arg0, %arg1, %c0_i32 : i32, i32, i32
  }
  func.func @transform_1(%arg0: i32, %arg1: i32) -> (i32, i32, i32) {
    %c0_i32 = arith.constant 0 : i32
    %c0_i32_0 = arith.constant 0 : i32
    return %arg0, %arg1, %c0_i32 : i32, i32, i32
  }
}

module attributes {stable_mosaic.version = 14 : i64} {
  func.func @_edge_body(%arg0: i32, %arg1: memref<1280x128xf32, #tpu.memory_space<vmem>>, %arg2: memref<64x128xf32, #tpu.memory_space<vmem>>, %arg3: memref<6x64xbf16, #tpu.memory_space<vmem>>, %arg4: memref<64x64xf32, #tpu.memory_space<vmem>>) attributes {dimension_semantics = [#tpu.dimension_semantics<arbitrary>], iteration_bounds = array<i64: 64>, scalar_prefetch = 0 : i64, scratch_operands = 0 : i64, tpu.core_type = #tpu.core_type<tc>, window_params = [{transform_indices = @transform_0, window_bounds = array<i64: 1280, 128>}, {transform_indices = @transform_1, window_bounds = array<i64: 64, 128>}, {pipeline_mode = #tpu.pipeline_mode<synchronous>, transform_indices = @transform_2, window_bounds = array<i64: 6, 64>}, {transform_indices = @transform_3, window_bounds = array<i64: 64, 64>}]} {
    %get3A = arith.constant 0 : index
    %get3A_0 = arith.constant 0 : index
    %get3A_1 = vector.load %arg1[%get3A, %get3A_0] : memref<1280x128xf32, #tpu.memory_space<vmem>>, vector<1280x128xf32>
    %reshape3A = vector.shape_cast %get3A_1 : vector<1280x128xf32> to vector<64x20x128xf32>
    %slice3A = vector.extract_strided_slice %reshape3A {offsets = [0, 0, 0], sizes = [64, 20, 3], strides = [1, 1, 1]} : vector<64x20x128xf32> to vector<64x20x3xf32>
    %get3A_2 = arith.constant 0 : index
    %get3A_3 = arith.constant 0 : index
    %get3A_4 = vector.load %arg2[%get3A_2, %get3A_3] : memref<64x128xf32, #tpu.memory_space<vmem>>, vector<64x128xf32>
    %slice3A_5 = vector.extract_strided_slice %get3A_4 {offsets = [0, 0], sizes = [64, 3], strides = [1, 1]} : vector<64x128xf32> to vector<64x3xf32>
    %broadcast_in_dim3A = vector.shape_cast %slice3A_5 : vector<64x3xf32> to vector<64x1x3xf32>
    %sub3A = vector.broadcast %broadcast_in_dim3A : vector<64x1x3xf32> to vector<64x20x3xf32>
    %sub3A_6 = arith.subf %slice3A, %sub3A : vector<64x20x3xf32>
    %broadcast_in_dim3A_7 = vector.shape_cast %slice3A_5 : vector<64x3xf32> to vector<64x1x3xf32>
    %broadcast_in_dim3A_8 = vector.shape_cast %broadcast_in_dim3A_7 : vector<64x1x3xf32> to vector<64x1x3xf32>
    %broadcast_in_dim3A_9 = vector.broadcast %broadcast_in_dim3A_8 : vector<64x1x3xf32> to vector<64x20x3xf32>
    %concatenate3A = tpu.concatenate %sub3A_6, %broadcast_in_dim3A_9 in 2 : vector<64x20x3xf32>, vector<64x20x3xf32> -> vector<64x20x6xf32>
    %reshape3A_10 = vector.shape_cast %concatenate3A : vector<64x20x6xf32> to vector<1280x6xf32>
    %convert_element_type3A = arith.truncf %reshape3A_10 : vector<1280x6xf32> to vector<1280x6xbf16>
    %get3A_11 = arith.constant 0 : index
    %get3A_12 = arith.constant 0 : index
    %get3A_13 = vector.load %arg3[%get3A_11, %get3A_12] : memref<6x64xbf16, #tpu.memory_space<vmem>>, vector<6x64xbf16>
    %dot_general3A = arith.constant dense<0.000000e+00> : vector<1280x64xf32>
    %dot_general3A_14 = tpu.matmul %convert_element_type3A, %get3A_13, %dot_general3A {dimension_numbers = #tpu.dot_dimension_numbers<[1], [0], [0], [1], [0, 0, 1, 1], [], []>, transpose_lhs_hint = false} : vector<1280x6xbf16>, vector<6x64xbf16>, vector<1280x64xf32> -> vector<1280x64xf32>
    %reshape3A_15 = vector.shape_cast %dot_general3A_14 : vector<1280x64xf32> to vector<64x20x64xf32>
    %reduce_max3A = arith.constant dense<0xFF800000> : vector<64x64xf32>
    %reduce_max3A_16 = vector.multi_reduction <maximumf>, %reshape3A_15, %reduce_max3A [1] : vector<64x20x64xf32> to vector<64x64xf32>
    %swap3A = arith.constant 0 : index
    %swap3A_17 = arith.constant 0 : index
    %swap3A_18 = vector.load %arg4[%swap3A, %swap3A_17] : memref<64x64xf32, #tpu.memory_space<vmem>>, vector<64x64xf32>
    tpu.vector_store %arg4[%swap3A, %swap3A_17], %reduce_max3A_16 {strides = array<i32>} : memref<64x64xf32, #tpu.memory_space<vmem>>, vector<64x64xf32>,
    return
  }
  func.func @transform_0(%arg0: i32) -> (i32, i32) {
    %c0_i32 = arith.constant 0 : i32
    %c0_i32_0 = arith.constant 0 : i32
    return %arg0, %c0_i32 : i32, i32
  }
  func.func @transform_1(%arg0: i32) -> (i32, i32) {
    %c0_i32 = arith.constant 0 : i32
    %c0_i32_0 = arith.constant 0 : i32
    return %arg0, %c0_i32 : i32, i32
  }
  func.func @transform_2(%arg0: i32) -> (i32, i32) {
    %c0_i32 = arith.constant 0 : i32
    %c0_i32_0 = arith.constant 0 : i32
    %c0_i32_1 = arith.constant 0 : i32
    return %c0_i32, %c0_i32_0 : i32, i32
  }
  func.func @transform_3(%arg0: i32) -> (i32, i32) {
    %c0_i32 = arith.constant 0 : i32
    %c0_i32_0 = arith.constant 0 : i32
    return %arg0, %c0_i32 : i32, i32
  }
}

module attributes {stable_mosaic.version = 14 : i64} {
  func.func @_apply_body(%arg0: i32, %arg1: memref<512x64xf32, #tpu.memory_space<vmem>>, %arg2: memref<1x64xf32, #tpu.memory_space<vmem>>, %arg3: memref<1x64xf32, #tpu.memory_space<vmem>>, %arg4: memref<1x64xf32, #tpu.memory_space<vmem>>, %arg5: memref<1x64xf32, #tpu.memory_space<vmem>>, %arg6: memref<512x128xf32, #tpu.memory_space<vmem>>) attributes {dimension_semantics = [#tpu.dimension_semantics<arbitrary>], iteration_bounds = array<i64: 8>, scalar_prefetch = 0 : i64, scratch_operands = 0 : i64, tpu.core_type = #tpu.core_type<tc>, window_params = [{transform_indices = @transform_0, window_bounds = array<i64: 512, 64>}, {pipeline_mode = #tpu.pipeline_mode<synchronous>, transform_indices = @transform_1, window_bounds = array<i64: 1, 64>}, {pipeline_mode = #tpu.pipeline_mode<synchronous>, transform_indices = @transform_2, window_bounds = array<i64: 1, 64>}, {pipeline_mode = #tpu.pipeline_mode<synchronous>, transform_indices = @transform_3, window_bounds = array<i64: 1, 64>}, {pipeline_mode = #tpu.pipeline_mode<synchronous>, transform_indices = @transform_4, window_bounds = array<i64: 1, 64>}, {transform_indices = @transform_5, window_bounds = array<i64: 512, 128>}]} {
    %get3A = arith.constant 0 : index
    %get3A_0 = arith.constant 0 : index
    %get3A_1 = vector.load %arg1[%get3A, %get3A_0] : memref<512x64xf32, #tpu.memory_space<vmem>>, vector<512x64xf32>
    %get3A_2 = arith.constant 0 : index
    %get3A_3 = arith.constant 0 : index
    %get3A_4 = vector.load %arg2[%get3A_2, %get3A_3] : memref<1x64xf32, #tpu.memory_space<vmem>>, vector<1x64xf32>
    %sub3A = vector.broadcast %get3A_4 : vector<1x64xf32> to vector<512x64xf32>
    %sub3A_5 = arith.subf %get3A_1, %sub3A : vector<512x64xf32>
    %get3A_6 = arith.constant 0 : index
    %get3A_7 = arith.constant 0 : index
    %get3A_8 = vector.load %arg3[%get3A_6, %get3A_7] : memref<1x64xf32, #tpu.memory_space<vmem>>, vector<1x64xf32>
    %add3A = arith.constant 9.99999974E-6 : f32
    %add3A_9 = vector.broadcast %add3A : f32 to vector<1x64xf32>
    %add3A_10 = arith.addf %get3A_8, %add3A_9 : vector<1x64xf32>
    %sqrt3A = math.sqrt %add3A_10 : vector<1x64xf32>
    %div3A = vector.broadcast %sqrt3A : vector<1x64xf32> to vector<512x64xf32>
    %div3A_11 = arith.divf %sub3A_5, %div3A : vector<512x64xf32>
    %get3A_12 = arith.constant 0 : index
    %get3A_13 = arith.constant 0 : index
    %get3A_14 = vector.load %arg4[%get3A_12, %get3A_13] : memref<1x64xf32, #tpu.memory_space<vmem>>, vector<1x64xf32>
    %mul3A = vector.broadcast %get3A_14 : vector<1x64xf32> to vector<512x64xf32>
    %mul3A_15 = arith.mulf %div3A_11, %mul3A : vector<512x64xf32>
    %get3A_16 = arith.constant 0 : index
    %get3A_17 = arith.constant 0 : index
    %get3A_18 = vector.load %arg5[%get3A_16, %get3A_17] : memref<1x64xf32, #tpu.memory_space<vmem>>, vector<1x64xf32>
    %add3A_19 = vector.broadcast %get3A_18 : vector<1x64xf32> to vector<512x64xf32>
    %add3A_20 = arith.addf %mul3A_15, %add3A_19 : vector<512x64xf32>
    %ge3A = arith.constant 0.000000e+00 : f32
    %ge3A_21 = vector.broadcast %ge3A : f32 to vector<512x64xf32>
    %ge3A_22 = arith.cmpf oge, %add3A_20, %ge3A_21 : vector<512x64xf32>
    %mul3A_23 = arith.constant 2.000000e-01 : f32
    %mul3A_24 = vector.broadcast %mul3A_23 : f32 to vector<512x64xf32>
    %mul3A_25 = arith.mulf %mul3A_24, %add3A_20 : vector<512x64xf32>
    %select_n3A = arith.select %ge3A_22, %add3A_20, %mul3A_25 : vector<512x64xi1>, vector<512x64xf32>
    %broadcast_in_dim3A = arith.constant 0.000000e+00 : f32
    %broadcast_in_dim3A_26 = vector.broadcast %broadcast_in_dim3A : f32 to vector<512x64xf32>
    %concatenate3A = tpu.concatenate %select_n3A, %broadcast_in_dim3A_26 in 1 : vector<512x64xf32>, vector<512x64xf32> -> vector<512x128xf32>
    %swap3A = arith.constant 0 : index
    %swap3A_27 = arith.constant 0 : index
    %swap3A_28 = vector.load %arg6[%swap3A, %swap3A_27] : memref<512x128xf32, #tpu.memory_space<vmem>>, vector<512x128xf32>
    tpu.vector_store %arg6[%swap3A, %swap3A_27], %concatenate3A {strides = array<i32>} : memref<512x128xf32, #tpu.memory_space<vmem>>, vector<512x128xf32>,
    return
  }
  func.func @transform_0(%arg0: i32) -> (i32, i32) {
    %c0_i32 = arith.constant 0 : i32
    %c0_i32_0 = arith.constant 0 : i32
    return %arg0, %c0_i32 : i32, i32
  }
  func.func @transform_1(%arg0: i32) -> (i32, i32) {
    %c0_i32 = arith.constant 0 : i32
    %c0_i32_0 = arith.constant 0 : i32
    %c0_i32_1 = arith.constant 0 : i32
    return %c0_i32, %c0_i32_0 : i32, i32
  }
  func.func @transform_2(%arg0: i32) -> (i32, i32) {
    %c0_i32 = arith.constant 0 : i32
    %c0_i32_0 = arith.constant 0 : i32
    %c0_i32_1 = arith.constant 0 : i32
    return %c0_i32, %c0_i32_0 : i32, i32
  }
  func.func @transform_3(%arg0: i32) -> (i32, i32) {
    %c0_i32 = arith.constant 0 : i32
    %c0_i32_0 = arith.constant 0 : i32
    %c0_i32_1 = arith.constant 0 : i32
    return %c0_i32, %c0_i32_0 : i32, i32
  }
  func.func @transform_4(%arg0: i32) -> (i32, i32) {
    %c0_i32 = arith.constant 0 : i32
    %c0_i32_0 = arith.constant 0 : i32
    %c0_i32_1 = arith.constant 0 : i32
    return %c0_i32, %c0_i32_0 : i32, i32
  }
  func.func @transform_5(%arg0: i32) -> (i32, i32) {
    %c0_i32 = arith.constant 0 : i32
    %c0_i32_0 = arith.constant 0 : i32
    return %arg0, %c0_i32 : i32, i32
  }
}

module attributes {stable_mosaic.version = 14 : i64} {
  func.func @_edge_body(%arg0: i32, %arg1: memref<1280x128xf32, #tpu.memory_space<vmem>>, %arg2: memref<64x128xf32, #tpu.memory_space<vmem>>, %arg3: memref<128x64xbf16, #tpu.memory_space<vmem>>, %arg4: memref<64x64xf32, #tpu.memory_space<vmem>>) attributes {dimension_semantics = [#tpu.dimension_semantics<arbitrary>], iteration_bounds = array<i64: 64>, scalar_prefetch = 0 : i64, scratch_operands = 0 : i64, tpu.core_type = #tpu.core_type<tc>, window_params = [{transform_indices = @transform_0, window_bounds = array<i64: 1280, 128>}, {transform_indices = @transform_1, window_bounds = array<i64: 64, 128>}, {pipeline_mode = #tpu.pipeline_mode<synchronous>, transform_indices = @transform_2, window_bounds = array<i64: 128, 64>}, {transform_indices = @transform_3, window_bounds = array<i64: 64, 64>}]} {
    %get3A = arith.constant 0 : index
    %get3A_0 = arith.constant 0 : index
    %get3A_1 = vector.load %arg1[%get3A, %get3A_0] : memref<1280x128xf32, #tpu.memory_space<vmem>>, vector<1280x128xf32>
    %reshape3A = vector.shape_cast %get3A_1 : vector<1280x128xf32> to vector<64x20x128xf32>
    %slice3A = vector.extract_strided_slice %reshape3A {offsets = [0, 0, 0], sizes = [64, 20, 64], strides = [1, 1, 1]} : vector<64x20x128xf32> to vector<64x20x64xf32>
    %get3A_2 = arith.constant 0 : index
    %get3A_3 = arith.constant 0 : index
    %get3A_4 = vector.load %arg2[%get3A_2, %get3A_3] : memref<64x128xf32, #tpu.memory_space<vmem>>, vector<64x128xf32>
    %slice3A_5 = vector.extract_strided_slice %get3A_4 {offsets = [0, 0], sizes = [64, 64], strides = [1, 1]} : vector<64x128xf32> to vector<64x64xf32>
    %broadcast_in_dim3A = vector.shape_cast %slice3A_5 : vector<64x64xf32> to vector<64x1x64xf32>
    %sub3A = vector.broadcast %broadcast_in_dim3A : vector<64x1x64xf32> to vector<64x20x64xf32>
    %sub3A_6 = arith.subf %slice3A, %sub3A : vector<64x20x64xf32>
    %broadcast_in_dim3A_7 = vector.shape_cast %slice3A_5 : vector<64x64xf32> to vector<64x1x64xf32>
    %broadcast_in_dim3A_8 = vector.shape_cast %broadcast_in_dim3A_7 : vector<64x1x64xf32> to vector<64x1x64xf32>
    %broadcast_in_dim3A_9 = vector.broadcast %broadcast_in_dim3A_8 : vector<64x1x64xf32> to vector<64x20x64xf32>
    %concatenate3A = tpu.concatenate %sub3A_6, %broadcast_in_dim3A_9 in 2 : vector<64x20x64xf32>, vector<64x20x64xf32> -> vector<64x20x128xf32>
    %reshape3A_10 = vector.shape_cast %concatenate3A : vector<64x20x128xf32> to vector<1280x128xf32>
    %convert_element_type3A = arith.truncf %reshape3A_10 : vector<1280x128xf32> to vector<1280x128xbf16>
    %get3A_11 = arith.constant 0 : index
    %get3A_12 = arith.constant 0 : index
    %get3A_13 = vector.load %arg3[%get3A_11, %get3A_12] : memref<128x64xbf16, #tpu.memory_space<vmem>>, vector<128x64xbf16>
    %dot_general3A = arith.constant dense<0.000000e+00> : vector<1280x64xf32>
    %dot_general3A_14 = tpu.matmul %convert_element_type3A, %get3A_13, %dot_general3A {dimension_numbers = #tpu.dot_dimension_numbers<[1], [0], [0], [1], [0, 0, 1, 1], [], []>, transpose_lhs_hint = false} : vector<1280x128xbf16>, vector<128x64xbf16>, vector<1280x64xf32> -> vector<1280x64xf32>
    %reshape3A_15 = vector.shape_cast %dot_general3A_14 : vector<1280x64xf32> to vector<64x20x64xf32>
    %reduce_max3A = arith.constant dense<0xFF800000> : vector<64x64xf32>
    %reduce_max3A_16 = vector.multi_reduction <maximumf>, %reshape3A_15, %reduce_max3A [1] : vector<64x20x64xf32> to vector<64x64xf32>
    %swap3A = arith.constant 0 : index
    %swap3A_17 = arith.constant 0 : index
    %swap3A_18 = vector.load %arg4[%swap3A, %swap3A_17] : memref<64x64xf32, #tpu.memory_space<vmem>>, vector<64x64xf32>
    tpu.vector_store %arg4[%swap3A, %swap3A_17], %reduce_max3A_16 {strides = array<i32>} : memref<64x64xf32, #tpu.memory_space<vmem>>, vector<64x64xf32>,
    return
  }
  func.func @transform_0(%arg0: i32) -> (i32, i32) {
    %c0_i32 = arith.constant 0 : i32
    %c0_i32_0 = arith.constant 0 : i32
    return %arg0, %c0_i32 : i32, i32
  }
  func.func @transform_1(%arg0: i32) -> (i32, i32) {
    %c0_i32 = arith.constant 0 : i32
    %c0_i32_0 = arith.constant 0 : i32
    return %arg0, %c0_i32 : i32, i32
  }
  func.func @transform_2(%arg0: i32) -> (i32, i32) {
    %c0_i32 = arith.constant 0 : i32
    %c0_i32_0 = arith.constant 0 : i32
    %c0_i32_1 = arith.constant 0 : i32
    return %c0_i32, %c0_i32_0 : i32, i32
  }
  func.func @transform_3(%arg0: i32) -> (i32, i32) {
    %c0_i32 = arith.constant 0 : i32
    %c0_i32_0 = arith.constant 0 : i32
    return %arg0, %c0_i32 : i32, i32
  }
}

module attributes {stable_mosaic.version = 14 : i64} {
  func.func @_edge_body(%arg0: i32, %arg1: memref<1280x128xf32, #tpu.memory_space<vmem>>, %arg2: memref<64x128xf32, #tpu.memory_space<vmem>>, %arg3: memref<128x128xbf16, #tpu.memory_space<vmem>>, %arg4: memref<64x128xf32, #tpu.memory_space<vmem>>) attributes {dimension_semantics = [#tpu.dimension_semantics<arbitrary>], iteration_bounds = array<i64: 64>, scalar_prefetch = 0 : i64, scratch_operands = 0 : i64, tpu.core_type = #tpu.core_type<tc>, window_params = [{transform_indices = @transform_0, window_bounds = array<i64: 1280, 128>}, {transform_indices = @transform_1, window_bounds = array<i64: 64, 128>}, {pipeline_mode = #tpu.pipeline_mode<synchronous>, transform_indices = @transform_2, window_bounds = array<i64: 128, 128>}, {transform_indices = @transform_3, window_bounds = array<i64: 64, 128>}]} {
    %get3A = arith.constant 0 : index
    %get3A_0 = arith.constant 0 : index
    %get3A_1 = vector.load %arg1[%get3A, %get3A_0] : memref<1280x128xf32, #tpu.memory_space<vmem>>, vector<1280x128xf32>
    %reshape3A = vector.shape_cast %get3A_1 : vector<1280x128xf32> to vector<64x20x128xf32>
    %slice3A = vector.extract_strided_slice %reshape3A {offsets = [0, 0, 0], sizes = [64, 20, 64], strides = [1, 1, 1]} : vector<64x20x128xf32> to vector<64x20x64xf32>
    %get3A_2 = arith.constant 0 : index
    %get3A_3 = arith.constant 0 : index
    %get3A_4 = vector.load %arg2[%get3A_2, %get3A_3] : memref<64x128xf32, #tpu.memory_space<vmem>>, vector<64x128xf32>
    %slice3A_5 = vector.extract_strided_slice %get3A_4 {offsets = [0, 0], sizes = [64, 64], strides = [1, 1]} : vector<64x128xf32> to vector<64x64xf32>
    %broadcast_in_dim3A = vector.shape_cast %slice3A_5 : vector<64x64xf32> to vector<64x1x64xf32>
    %sub3A = vector.broadcast %broadcast_in_dim3A : vector<64x1x64xf32> to vector<64x20x64xf32>
    %sub3A_6 = arith.subf %slice3A, %sub3A : vector<64x20x64xf32>
    %broadcast_in_dim3A_7 = vector.shape_cast %slice3A_5 : vector<64x64xf32> to vector<64x1x64xf32>
    %broadcast_in_dim3A_8 = vector.shape_cast %broadcast_in_dim3A_7 : vector<64x1x64xf32> to vector<64x1x64xf32>
    %broadcast_in_dim3A_9 = vector.broadcast %broadcast_in_dim3A_8 : vector<64x1x64xf32> to vector<64x20x64xf32>
    %concatenate3A = tpu.concatenate %sub3A_6, %broadcast_in_dim3A_9 in 2 : vector<64x20x64xf32>, vector<64x20x64xf32> -> vector<64x20x128xf32>
    %reshape3A_10 = vector.shape_cast %concatenate3A : vector<64x20x128xf32> to vector<1280x128xf32>
    %convert_element_type3A = arith.truncf %reshape3A_10 : vector<1280x128xf32> to vector<1280x128xbf16>
    %get3A_11 = arith.constant 0 : index
    %get3A_12 = arith.constant 0 : index
    %get3A_13 = vector.load %arg3[%get3A_11, %get3A_12] : memref<128x128xbf16, #tpu.memory_space<vmem>>, vector<128x128xbf16>
    %dot_general3A = arith.constant dense<0.000000e+00> : vector<1280x128xf32>
    %dot_general3A_14 = tpu.matmul %convert_element_type3A, %get3A_13, %dot_general3A {dimension_numbers = #tpu.dot_dimension_numbers<[1], [0], [0], [1], [0, 0, 1, 1], [], []>, transpose_lhs_hint = false} : vector<1280x128xbf16>, vector<128x128xbf16>, vector<1280x128xf32> -> vector<1280x128xf32>
    %reshape3A_15 = vector.shape_cast %dot_general3A_14 : vector<1280x128xf32> to vector<64x20x128xf32>
    %reduce_max3A = arith.constant dense<0xFF800000> : vector<64x128xf32>
    %reduce_max3A_16 = vector.multi_reduction <maximumf>, %reshape3A_15, %reduce_max3A [1] : vector<64x20x128xf32> to vector<64x128xf32>
    %swap3A = arith.constant 0 : index
    %swap3A_17 = arith.constant 0 : index
    %swap3A_18 = vector.load %arg4[%swap3A, %swap3A_17] : memref<64x128xf32, #tpu.memory_space<vmem>>, vector<64x128xf32>
    tpu.vector_store %arg4[%swap3A, %swap3A_17], %reduce_max3A_16 {strides = array<i32>} : memref<64x128xf32, #tpu.memory_space<vmem>>, vector<64x128xf32>,
    return
  }
  func.func @transform_0(%arg0: i32) -> (i32, i32) {
    %c0_i32 = arith.constant 0 : i32
    %c0_i32_0 = arith.constant 0 : i32
    return %arg0, %c0_i32 : i32, i32
  }
  func.func @transform_1(%arg0: i32) -> (i32, i32) {
    %c0_i32 = arith.constant 0 : i32
    %c0_i32_0 = arith.constant 0 : i32
    return %arg0, %c0_i32 : i32, i32
  }
  func.func @transform_2(%arg0: i32) -> (i32, i32) {
    %c0_i32 = arith.constant 0 : i32
    %c0_i32_0 = arith.constant 0 : i32
    %c0_i32_1 = arith.constant 0 : i32
    return %c0_i32, %c0_i32_0 : i32, i32
  }
  func.func @transform_3(%arg0: i32) -> (i32, i32) {
    %c0_i32 = arith.constant 0 : i32
    %c0_i32_0 = arith.constant 0 : i32
    return %arg0, %c0_i32 : i32, i32
  }
}

module attributes {stable_mosaic.version = 14 : i64} {
  func.func @_apply_body(%arg0: i32, %arg1: memref<512x128xf32, #tpu.memory_space<vmem>>, %arg2: memref<1x128xf32, #tpu.memory_space<vmem>>, %arg3: memref<1x128xf32, #tpu.memory_space<vmem>>, %arg4: memref<1x128xf32, #tpu.memory_space<vmem>>, %arg5: memref<1x128xf32, #tpu.memory_space<vmem>>, %arg6: memref<512x128xf32, #tpu.memory_space<vmem>>) attributes {dimension_semantics = [#tpu.dimension_semantics<arbitrary>], iteration_bounds = array<i64: 8>, scalar_prefetch = 0 : i64, scratch_operands = 0 : i64, tpu.core_type = #tpu.core_type<tc>, window_params = [{transform_indices = @transform_0, window_bounds = array<i64: 512, 128>}, {pipeline_mode = #tpu.pipeline_mode<synchronous>, transform_indices = @transform_1, window_bounds = array<i64: 1, 128>}, {pipeline_mode = #tpu.pipeline_mode<synchronous>, transform_indices = @transform_2, window_bounds = array<i64: 1, 128>}, {pipeline_mode = #tpu.pipeline_mode<synchronous>, transform_indices = @transform_3, window_bounds = array<i64: 1, 128>}, {pipeline_mode = #tpu.pipeline_mode<synchronous>, transform_indices = @transform_4, window_bounds = array<i64: 1, 128>}, {transform_indices = @transform_5, window_bounds = array<i64: 512, 128>}]} {
    %get3A = arith.constant 0 : index
    %get3A_0 = arith.constant 0 : index
    %get3A_1 = vector.load %arg1[%get3A, %get3A_0] : memref<512x128xf32, #tpu.memory_space<vmem>>, vector<512x128xf32>
    %get3A_2 = arith.constant 0 : index
    %get3A_3 = arith.constant 0 : index
    %get3A_4 = vector.load %arg2[%get3A_2, %get3A_3] : memref<1x128xf32, #tpu.memory_space<vmem>>, vector<1x128xf32>
    %sub3A = vector.broadcast %get3A_4 : vector<1x128xf32> to vector<512x128xf32>
    %sub3A_5 = arith.subf %get3A_1, %sub3A : vector<512x128xf32>
    %get3A_6 = arith.constant 0 : index
    %get3A_7 = arith.constant 0 : index
    %get3A_8 = vector.load %arg3[%get3A_6, %get3A_7] : memref<1x128xf32, #tpu.memory_space<vmem>>, vector<1x128xf32>
    %add3A = arith.constant 9.99999974E-6 : f32
    %add3A_9 = vector.broadcast %add3A : f32 to vector<1x128xf32>
    %add3A_10 = arith.addf %get3A_8, %add3A_9 : vector<1x128xf32>
    %sqrt3A = math.sqrt %add3A_10 : vector<1x128xf32>
    %div3A = vector.broadcast %sqrt3A : vector<1x128xf32> to vector<512x128xf32>
    %div3A_11 = arith.divf %sub3A_5, %div3A : vector<512x128xf32>
    %get3A_12 = arith.constant 0 : index
    %get3A_13 = arith.constant 0 : index
    %get3A_14 = vector.load %arg4[%get3A_12, %get3A_13] : memref<1x128xf32, #tpu.memory_space<vmem>>, vector<1x128xf32>
    %mul3A = vector.broadcast %get3A_14 : vector<1x128xf32> to vector<512x128xf32>
    %mul3A_15 = arith.mulf %div3A_11, %mul3A : vector<512x128xf32>
    %get3A_16 = arith.constant 0 : index
    %get3A_17 = arith.constant 0 : index
    %get3A_18 = vector.load %arg5[%get3A_16, %get3A_17] : memref<1x128xf32, #tpu.memory_space<vmem>>, vector<1x128xf32>
    %add3A_19 = vector.broadcast %get3A_18 : vector<1x128xf32> to vector<512x128xf32>
    %add3A_20 = arith.addf %mul3A_15, %add3A_19 : vector<512x128xf32>
    %ge3A = arith.constant 0.000000e+00 : f32
    %ge3A_21 = vector.broadcast %ge3A : f32 to vector<512x128xf32>
    %ge3A_22 = arith.cmpf oge, %add3A_20, %ge3A_21 : vector<512x128xf32>
    %mul3A_23 = arith.constant 2.000000e-01 : f32
    %mul3A_24 = vector.broadcast %mul3A_23 : f32 to vector<512x128xf32>
    %mul3A_25 = arith.mulf %mul3A_24, %add3A_20 : vector<512x128xf32>
    %select_n3A = arith.select %ge3A_22, %add3A_20, %mul3A_25 : vector<512x128xi1>, vector<512x128xf32>
    %swap3A = arith.constant 0 : index
    %swap3A_26 = arith.constant 0 : index
    %swap3A_27 = vector.load %arg6[%swap3A, %swap3A_26] : memref<512x128xf32, #tpu.memory_space<vmem>>, vector<512x128xf32>
    tpu.vector_store %arg6[%swap3A, %swap3A_26], %select_n3A {strides = array<i32>} : memref<512x128xf32, #tpu.memory_space<vmem>>, vector<512x128xf32>,
    return
  }
  func.func @transform_0(%arg0: i32) -> (i32, i32) {
    %c0_i32 = arith.constant 0 : i32
    %c0_i32_0 = arith.constant 0 : i32
    return %arg0, %c0_i32 : i32, i32
  }
  func.func @transform_1(%arg0: i32) -> (i32, i32) {
    %c0_i32 = arith.constant 0 : i32
    %c0_i32_0 = arith.constant 0 : i32
    %c0_i32_1 = arith.constant 0 : i32
    return %c0_i32, %c0_i32_0 : i32, i32
  }
  func.func @transform_2(%arg0: i32) -> (i32, i32) {
    %c0_i32 = arith.constant 0 : i32
    %c0_i32_0 = arith.constant 0 : i32
    %c0_i32_1 = arith.constant 0 : i32
    return %c0_i32, %c0_i32_0 : i32, i32
  }
  func.func @transform_3(%arg0: i32) -> (i32, i32) {
    %c0_i32 = arith.constant 0 : i32
    %c0_i32_0 = arith.constant 0 : i32
    %c0_i32_1 = arith.constant 0 : i32
    return %c0_i32, %c0_i32_0 : i32, i32
  }
  func.func @transform_4(%arg0: i32) -> (i32, i32) {
    %c0_i32 = arith.constant 0 : i32
    %c0_i32_0 = arith.constant 0 : i32
    %c0_i32_1 = arith.constant 0 : i32
    return %c0_i32, %c0_i32_0 : i32, i32
  }
  func.func @transform_5(%arg0: i32) -> (i32, i32) {
    %c0_i32 = arith.constant 0 : i32
    %c0_i32_0 = arith.constant 0 : i32
    return %arg0, %c0_i32 : i32, i32
  }
}

module attributes {stable_mosaic.version = 14 : i64} {
  func.func @_edge_body(%arg0: i32, %arg1: memref<1280x128xf32, #tpu.memory_space<vmem>>, %arg2: memref<64x128xf32, #tpu.memory_space<vmem>>, %arg3: memref<256x256xbf16, #tpu.memory_space<vmem>>, %arg4: memref<64x256xf32, #tpu.memory_space<vmem>>) attributes {dimension_semantics = [#tpu.dimension_semantics<arbitrary>], iteration_bounds = array<i64: 64>, scalar_prefetch = 0 : i64, scratch_operands = 0 : i64, tpu.core_type = #tpu.core_type<tc>, window_params = [{transform_indices = @transform_0, window_bounds = array<i64: 1280, 128>}, {transform_indices = @transform_1, window_bounds = array<i64: 64, 128>}, {pipeline_mode = #tpu.pipeline_mode<synchronous>, transform_indices = @transform_2, window_bounds = array<i64: 256, 256>}, {transform_indices = @transform_3, window_bounds = array<i64: 64, 256>}]} {
    %get3A = arith.constant 0 : index
    %get3A_0 = arith.constant 0 : index
    %get3A_1 = vector.load %arg1[%get3A, %get3A_0] : memref<1280x128xf32, #tpu.memory_space<vmem>>, vector<1280x128xf32>
    %reshape3A = vector.shape_cast %get3A_1 : vector<1280x128xf32> to vector<64x20x128xf32>
    %get3A_2 = arith.constant 0 : index
    %get3A_3 = arith.constant 0 : index
    %get3A_4 = vector.load %arg2[%get3A_2, %get3A_3] : memref<64x128xf32, #tpu.memory_space<vmem>>, vector<64x128xf32>
    %broadcast_in_dim3A = vector.shape_cast %get3A_4 : vector<64x128xf32> to vector<64x1x128xf32>
    %sub3A = vector.broadcast %broadcast_in_dim3A : vector<64x1x128xf32> to vector<64x20x128xf32>
    %sub3A_5 = arith.subf %reshape3A, %sub3A : vector<64x20x128xf32>
    %broadcast_in_dim3A_6 = vector.shape_cast %get3A_4 : vector<64x128xf32> to vector<64x1x128xf32>
    %broadcast_in_dim3A_7 = vector.shape_cast %broadcast_in_dim3A_6 : vector<64x1x128xf32> to vector<64x1x128xf32>
    %broadcast_in_dim3A_8 = vector.broadcast %broadcast_in_dim3A_7 : vector<64x1x128xf32> to vector<64x20x128xf32>
    %concatenate3A = tpu.concatenate %sub3A_5, %broadcast_in_dim3A_8 in 2 : vector<64x20x128xf32>, vector<64x20x128xf32> -> vector<64x20x256xf32>
    %reshape3A_9 = vector.shape_cast %concatenate3A : vector<64x20x256xf32> to vector<1280x256xf32>
    %convert_element_type3A = arith.truncf %reshape3A_9 : vector<1280x256xf32> to vector<1280x256xbf16>
    %get3A_10 = arith.constant 0 : index
    %get3A_11 = arith.constant 0 : index
    %get3A_12 = vector.load %arg3[%get3A_10, %get3A_11] : memref<256x256xbf16, #tpu.memory_space<vmem>>, vector<256x256xbf16>
    %dot_general3A = arith.constant dense<0.000000e+00> : vector<1280x256xf32>
    %dot_general3A_13 = tpu.matmul %convert_element_type3A, %get3A_12, %dot_general3A {dimension_numbers = #tpu.dot_dimension_numbers<[1], [0], [0], [1], [0, 0, 1, 1], [], []>, transpose_lhs_hint = false} : vector<1280x256xbf16>, vector<256x256xbf16>, vector<1280x256xf32> -> vector<1280x256xf32>
    %reshape3A_14 = vector.shape_cast %dot_general3A_13 : vector<1280x256xf32> to vector<64x20x256xf32>
    %reduce_max3A = arith.constant dense<0xFF800000> : vector<64x256xf32>
    %reduce_max3A_15 = vector.multi_reduction <maximumf>, %reshape3A_14, %reduce_max3A [1] : vector<64x20x256xf32> to vector<64x256xf32>
    %swap3A = arith.constant 0 : index
    %swap3A_16 = arith.constant 0 : index
    %swap3A_17 = vector.load %arg4[%swap3A, %swap3A_16] : memref<64x256xf32, #tpu.memory_space<vmem>>, vector<64x256xf32>
    tpu.vector_store %arg4[%swap3A, %swap3A_16], %reduce_max3A_15 {strides = array<i32>} : memref<64x256xf32, #tpu.memory_space<vmem>>, vector<64x256xf32>,
    return
  }
  func.func @transform_0(%arg0: i32) -> (i32, i32) {
    %c0_i32 = arith.constant 0 : i32
    %c0_i32_0 = arith.constant 0 : i32
    return %arg0, %c0_i32 : i32, i32
  }
  func.func @transform_1(%arg0: i32) -> (i32, i32) {
    %c0_i32 = arith.constant 0 : i32
    %c0_i32_0 = arith.constant 0 : i32
    return %arg0, %c0_i32 : i32, i32
  }
  func.func @transform_2(%arg0: i32) -> (i32, i32) {
    %c0_i32 = arith.constant 0 : i32
    %c0_i32_0 = arith.constant 0 : i32
    %c0_i32_1 = arith.constant 0 : i32
    return %c0_i32, %c0_i32_0 : i32, i32
  }
  func.func @transform_3(%arg0: i32) -> (i32, i32) {
    %c0_i32 = arith.constant 0 : i32
    %c0_i32_0 = arith.constant 0 : i32
    return %arg0, %c0_i32 : i32, i32
  }
}

module attributes {stable_mosaic.version = 14 : i64} {
  func.func @_apply_body(%arg0: i32, %arg1: memref<512x256xf32, #tpu.memory_space<vmem>>, %arg2: memref<1x256xf32, #tpu.memory_space<vmem>>, %arg3: memref<1x256xf32, #tpu.memory_space<vmem>>, %arg4: memref<1x256xf32, #tpu.memory_space<vmem>>, %arg5: memref<1x256xf32, #tpu.memory_space<vmem>>, %arg6: memref<512x256xf32, #tpu.memory_space<vmem>>) attributes {dimension_semantics = [#tpu.dimension_semantics<arbitrary>], iteration_bounds = array<i64: 8>, scalar_prefetch = 0 : i64, scratch_operands = 0 : i64, tpu.core_type = #tpu.core_type<tc>, window_params = [{transform_indices = @transform_0, window_bounds = array<i64: 512, 256>}, {pipeline_mode = #tpu.pipeline_mode<synchronous>, transform_indices = @transform_1, window_bounds = array<i64: 1, 256>}, {pipeline_mode = #tpu.pipeline_mode<synchronous>, transform_indices = @transform_2, window_bounds = array<i64: 1, 256>}, {pipeline_mode = #tpu.pipeline_mode<synchronous>, transform_indices = @transform_3, window_bounds = array<i64: 1, 256>}, {pipeline_mode = #tpu.pipeline_mode<synchronous>, transform_indices = @transform_4, window_bounds = array<i64: 1, 256>}, {transform_indices = @transform_5, window_bounds = array<i64: 512, 256>}]} {
    %get3A = arith.constant 0 : index
    %get3A_0 = arith.constant 0 : index
    %get3A_1 = vector.load %arg1[%get3A, %get3A_0] : memref<512x256xf32, #tpu.memory_space<vmem>>, vector<512x256xf32>
    %get3A_2 = arith.constant 0 : index
    %get3A_3 = arith.constant 0 : index
    %get3A_4 = vector.load %arg2[%get3A_2, %get3A_3] : memref<1x256xf32, #tpu.memory_space<vmem>>, vector<1x256xf32>
    %sub3A = vector.broadcast %get3A_4 : vector<1x256xf32> to vector<512x256xf32>
    %sub3A_5 = arith.subf %get3A_1, %sub3A : vector<512x256xf32>
    %get3A_6 = arith.constant 0 : index
    %get3A_7 = arith.constant 0 : index
    %get3A_8 = vector.load %arg3[%get3A_6, %get3A_7] : memref<1x256xf32, #tpu.memory_space<vmem>>, vector<1x256xf32>
    %add3A = arith.constant 9.99999974E-6 : f32
    %add3A_9 = vector.broadcast %add3A : f32 to vector<1x256xf32>
    %add3A_10 = arith.addf %get3A_8, %add3A_9 : vector<1x256xf32>
    %sqrt3A = math.sqrt %add3A_10 : vector<1x256xf32>
    %div3A = vector.broadcast %sqrt3A : vector<1x256xf32> to vector<512x256xf32>
    %div3A_11 = arith.divf %sub3A_5, %div3A : vector<512x256xf32>
    %get3A_12 = arith.constant 0 : index
    %get3A_13 = arith.constant 0 : index
    %get3A_14 = vector.load %arg4[%get3A_12, %get3A_13] : memref<1x256xf32, #tpu.memory_space<vmem>>, vector<1x256xf32>
    %mul3A = vector.broadcast %get3A_14 : vector<1x256xf32> to vector<512x256xf32>
    %mul3A_15 = arith.mulf %div3A_11, %mul3A : vector<512x256xf32>
    %get3A_16 = arith.constant 0 : index
    %get3A_17 = arith.constant 0 : index
    %get3A_18 = vector.load %arg5[%get3A_16, %get3A_17] : memref<1x256xf32, #tpu.memory_space<vmem>>, vector<1x256xf32>
    %add3A_19 = vector.broadcast %get3A_18 : vector<1x256xf32> to vector<512x256xf32>
    %add3A_20 = arith.addf %mul3A_15, %add3A_19 : vector<512x256xf32>
    %ge3A = arith.constant 0.000000e+00 : f32
    %ge3A_21 = vector.broadcast %ge3A : f32 to vector<512x256xf32>
    %ge3A_22 = arith.cmpf oge, %add3A_20, %ge3A_21 : vector<512x256xf32>
    %mul3A_23 = arith.constant 2.000000e-01 : f32
    %mul3A_24 = vector.broadcast %mul3A_23 : f32 to vector<512x256xf32>
    %mul3A_25 = arith.mulf %mul3A_24, %add3A_20 : vector<512x256xf32>
    %select_n3A = arith.select %ge3A_22, %add3A_20, %mul3A_25 : vector<512x256xi1>, vector<512x256xf32>
    %swap3A = arith.constant 0 : index
    %swap3A_26 = arith.constant 0 : index
    %swap3A_27 = vector.load %arg6[%swap3A, %swap3A_26] : memref<512x256xf32, #tpu.memory_space<vmem>>, vector<512x256xf32>
    tpu.vector_store %arg6[%swap3A, %swap3A_26], %select_n3A {strides = array<i32>} : memref<512x256xf32, #tpu.memory_space<vmem>>, vector<512x256xf32>,
    return
  }
  func.func @transform_0(%arg0: i32) -> (i32, i32) {
    %c0_i32 = arith.constant 0 : i32
    %c0_i32_0 = arith.constant 0 : i32
    return %arg0, %c0_i32 : i32, i32
  }
  func.func @transform_1(%arg0: i32) -> (i32, i32) {
    %c0_i32 = arith.constant 0 : i32
    %c0_i32_0 = arith.constant 0 : i32
    %c0_i32_1 = arith.constant 0 : i32
    return %c0_i32, %c0_i32_0 : i32, i32
  }
  func.func @transform_2(%arg0: i32) -> (i32, i32) {
    %c0_i32 = arith.constant 0 : i32
    %c0_i32_0 = arith.constant 0 : i32
    %c0_i32_1 = arith.constant 0 : i32
    return %c0_i32, %c0_i32_0 : i32, i32
  }
  func.func @transform_3(%arg0: i32) -> (i32, i32) {
    %c0_i32 = arith.constant 0 : i32
    %c0_i32_0 = arith.constant 0 : i32
    %c0_i32_1 = arith.constant 0 : i32
    return %c0_i32, %c0_i32_0 : i32, i32
  }
  func.func @transform_4(%arg0: i32) -> (i32, i32) {
    %c0_i32 = arith.constant 0 : i32
    %c0_i32_0 = arith.constant 0 : i32
    %c0_i32_1 = arith.constant 0 : i32
    return %c0_i32, %c0_i32_0 : i32, i32
  }
  func.func @transform_5(%arg0: i32) -> (i32, i32) {
    %c0_i32 = arith.constant 0 : i32
    %c0_i32_0 = arith.constant 0 : i32
    return %arg0, %c0_i32 : i32, i32
  }
}

module attributes {stable_mosaic.version = 14 : i64} {
  func.func @_head1_body(%arg0: i32, %arg1: memref<512x64xf32, #tpu.memory_space<vmem>>, %arg2: memref<512x64xf32, #tpu.memory_space<vmem>>, %arg3: memref<512x128xf32, #tpu.memory_space<vmem>>, %arg4: memref<512x256xf32, #tpu.memory_space<vmem>>, %arg5: memref<512x1024xbf16, #tpu.memory_space<vmem>>, %arg6: memref<512x1024xf32, #tpu.memory_space<vmem>>, %arg7: memref<8x1024xf32, #tpu.memory_space<vmem>>) attributes {dimension_semantics = [#tpu.dimension_semantics<arbitrary>], iteration_bounds = array<i64: 8>, scalar_prefetch = 0 : i64, scratch_operands = 0 : i64, tpu.core_type = #tpu.core_type<tc>, window_params = [{transform_indices = @transform_0, window_bounds = array<i64: 512, 64>}, {transform_indices = @transform_1, window_bounds = array<i64: 512, 64>}, {transform_indices = @transform_2, window_bounds = array<i64: 512, 128>}, {transform_indices = @transform_3, window_bounds = array<i64: 512, 256>}, {pipeline_mode = #tpu.pipeline_mode<synchronous>, transform_indices = @transform_4, window_bounds = array<i64: 512, 1024>}, {transform_indices = @transform_5, window_bounds = array<i64: 512, 1024>}, {pipeline_mode = #tpu.pipeline_mode<synchronous>, transform_indices = @transform_6, window_bounds = array<i64: 8, 1024>}]} {
    %get3A = arith.constant 0 : index
    %get3A_0 = arith.constant 0 : index
    %get3A_1 = vector.load %arg1[%get3A, %get3A_0] : memref<512x64xf32, #tpu.memory_space<vmem>>, vector<512x64xf32>
    %get3A_2 = arith.constant 0 : index
    %get3A_3 = arith.constant 0 : index
    %get3A_4 = vector.load %arg2[%get3A_2, %get3A_3] : memref<512x64xf32, #tpu.memory_space<vmem>>, vector<512x64xf32>
    %get3A_5 = arith.constant 0 : index
    %get3A_6 = arith.constant 0 : index
    %get3A_7 = vector.load %arg3[%get3A_5, %get3A_6] : memref<512x128xf32, #tpu.memory_space<vmem>>, vector<512x128xf32>
    %get3A_8 = arith.constant 0 : index
    %get3A_9 = arith.constant 0 : index
    %get3A_10 = vector.load %arg4[%get3A_8, %get3A_9] : memref<512x256xf32, #tpu.memory_space<vmem>>, vector<512x256xf32>
    %concatenate3A = tpu.concatenate %get3A_1, %get3A_4, %get3A_7, %get3A_10 in 1 : vector<512x64xf32>, vector<512x64xf32>, vector<512x128xf32>, vector<512x256xf32> -> vector<512x512xf32>
    %convert_element_type3A = arith.truncf %concatenate3A : vector<512x512xf32> to vector<512x512xbf16>
    %get3A_11 = arith.constant 0 : index
    %get3A_12 = arith.constant 0 : index
    %get3A_13 = vector.load %arg5[%get3A_11, %get3A_12] : memref<512x1024xbf16, #tpu.memory_space<vmem>>, vector<512x1024xbf16>
    %dot_general3A = arith.constant dense<0.000000e+00> : vector<512x1024xf32>
    %dot_general3A_14 = tpu.matmul %convert_element_type3A, %get3A_13, %dot_general3A {dimension_numbers = #tpu.dot_dimension_numbers<[1], [0], [0], [1], [0, 0, 1, 1], [], []>, transpose_lhs_hint = false} : vector<512x512xbf16>, vector<512x1024xbf16>, vector<512x1024xf32> -> vector<512x1024xf32>
    %swap3A = arith.constant 0 : index
    %swap3A_15 = arith.constant 0 : index
    %swap3A_16 = vector.load %arg6[%swap3A, %swap3A_15] : memref<512x1024xf32, #tpu.memory_space<vmem>>, vector<512x1024xf32>
    tpu.vector_store %arg6[%swap3A, %swap3A_15], %dot_general3A_14 {strides = array<i32>} : memref<512x1024xf32, #tpu.memory_space<vmem>>, vector<512x1024xf32>,
    %reduce_max3A = arith.constant dense<0xFF800000> : vector<1024xf32>
    %reduce_max3A_17 = vector.multi_reduction <maximumf>, %dot_general3A_14, %reduce_max3A [0] : vector<512x1024xf32> to vector<1024xf32>
    %broadcast_in_dim3A = vector.shape_cast %reduce_max3A_17 : vector<1024xf32> to vector<1x1024xf32>
    %iota3A = tpu.iota {dimensions = array<i32: 0>} : vector<8x1024xi32>
    %jit3A = arith.constant 2 : i32
    %div3A = arith.divsi %arg0, %jit3A : i32
    %sign3A = arith.constant 0 : i32
    %sign3A_18 = arith.cmpi sgt, %arg0, %sign3A : i32
    %sign3A_19 = arith.extui %sign3A_18 : i1 to i32
    %sign3A_20 = arith.constant 0 : i32
    %sign3A_21 = arith.cmpi slt, %arg0, %sign3A_20 : i32
    %sign3A_22 = arith.extui %sign3A_21 : i1 to i32
    %sign3A_23 = arith.subi %sign3A_19, %sign3A_22 : i32
    %sign3A_24 = arith.constant 0 : i32
    %sign3A_25 = arith.cmpi sgt, %jit3A, %sign3A_24 : i32
    %sign3A_26 = arith.extui %sign3A_25 : i1 to i32
    %sign3A_27 = arith.constant 0 : i32
    %sign3A_28 = arith.cmpi slt, %jit3A, %sign3A_27 : i32
    %sign3A_29 = arith.extui %sign3A_28 : i1 to i32
    %sign3A_30 = arith.subi %sign3A_26, %sign3A_29 : i32
    %ne3A = arith.cmpi ne, %sign3A_23, %sign3A_30 : i32
    %rem3A = arith.remsi %arg0, %jit3A : i32
    %ne3A_31 = arith.constant 0 : i32
    %ne3A_32 = arith.cmpi ne, %rem3A, %ne3A_31 : i32
    %and3A = arith.andi %ne3A, %ne3A_32 : i1
    %sub3A = arith.constant 1 : i32
    %sub3A_33 = arith.subi %div3A, %sub3A : i32
    %select_n3A = arith.select %and3A, %sub3A_33, %div3A : i32
    %eq3A = vector.broadcast %select_n3A : i32 to vector<8x1024xi32>
    %eq3A_34 = arith.cmpi eq, %iota3A, %eq3A : vector<8x1024xi32>
    %broadcast_in_dim3A_35 = vector.shape_cast %broadcast_in_dim3A : vector<1x1024xf32> to vector<1x1024xf32>
    %broadcast_in_dim3A_36 = vector.broadcast %broadcast_in_dim3A_35 : vector<1x1024xf32> to vector<8x1024xf32>
    %jit3A_37 = arith.constant 0xFF800000 : f32
    %broadcast_in_dim3A_38 = vector.broadcast %jit3A_37 : f32 to vector<8x1024xf32>
    %select_n3A_39 = arith.select %eq3A_34, %broadcast_in_dim3A_36, %broadcast_in_dim3A_38 : vector<8x1024xi1>, vector<8x1024xf32>
    %eq3A_40 = arith.constant 0 : i32
    %eq3A_41 = arith.cmpi eq, %arg0, %eq3A_40 : i32
    %convert_element_type3A_42 = arith.extui %eq3A_41 : i1 to i32
    %cond3A = arith.constant 0 : i32
    %cond3A_43 = arith.cmpi ne, %convert_element_type3A_42, %cond3A : i32
    scf.if %cond3A_43 {
      %swap3A_48 = arith.constant 0 : index
      %swap3A_49 = arith.constant 0 : index
      %swap3A_50 = vector.load %arg7[%swap3A_48, %swap3A_49] : memref<8x1024xf32, #tpu.memory_space<vmem>>, vector<8x1024xf32>
      tpu.vector_store %arg7[%swap3A_48, %swap3A_49], %select_n3A_39 {strides = array<i32>} : memref<8x1024xf32, #tpu.memory_space<vmem>>, vector<8x1024xf32>,
    } else {
    }
    %gt3A = arith.constant 0 : i32
    %gt3A_44 = arith.cmpi sgt, %arg0, %gt3A : i32
    %convert_element_type3A_45 = arith.extui %gt3A_44 : i1 to i32
    %cond3A_46 = arith.constant 0 : i32
    %cond3A_47 = arith.cmpi ne, %convert_element_type3A_45, %cond3A_46 : i32
    scf.if %cond3A_47 {
      %get3A_48 = arith.constant 0 : index
      %get3A_49 = arith.constant 0 : index
      %get3A_50 = vector.load %arg7[%get3A_48, %get3A_49] : memref<8x1024xf32, #tpu.memory_space<vmem>>, vector<8x1024xf32>
      %max3A = arith.maximumf %get3A_50, %select_n3A_39 : vector<8x1024xf32>
      %swap3A_51 = arith.constant 0 : index
      %swap3A_52 = arith.constant 0 : index
      %swap3A_53 = vector.load %arg7[%swap3A_51, %swap3A_52] : memref<8x1024xf32, #tpu.memory_space<vmem>>, vector<8x1024xf32>
      tpu.vector_store %arg7[%swap3A_51, %swap3A_52], %max3A {strides = array<i32>} : memref<8x1024xf32, #tpu.memory_space<vmem>>, vector<8x1024xf32>,
    } else {
    }
    return
  }
  func.func @transform_0(%arg0: i32) -> (i32, i32) {
    %c0_i32 = arith.constant 0 : i32
    %c0_i32_0 = arith.constant 0 : i32
    return %arg0, %c0_i32 : i32, i32
  }
  func.func @transform_1(%arg0: i32) -> (i32, i32) {
    %c0_i32 = arith.constant 0 : i32
    %c0_i32_0 = arith.constant 0 : i32
    return %arg0, %c0_i32 : i32, i32
  }
  func.func @transform_2(%arg0: i32) -> (i32, i32) {
    %c0_i32 = arith.constant 0 : i32
    %c0_i32_0 = arith.constant 0 : i32
    return %arg0, %c0_i32 : i32, i32
  }
  func.func @transform_3(%arg0: i32) -> (i32, i32) {
    %c0_i32 = arith.constant 0 : i32
    %c0_i32_0 = arith.constant 0 : i32
    return %arg0, %c0_i32 : i32, i32
  }
  func.func @transform_4(%arg0: i32) -> (i32, i32) {
    %c0_i32 = arith.constant 0 : i32
    %c0_i32_0 = arith.constant 0 : i32
    %c0_i32_1 = arith.constant 0 : i32
    return %c0_i32, %c0_i32_0 : i32, i32
  }
  func.func @transform_5(%arg0: i32) -> (i32, i32) {
    %c0_i32 = arith.constant 0 : i32
    %c0_i32_0 = arith.constant 0 : i32
    return %arg0, %c0_i32 : i32, i32
  }
  func.func @transform_6(%arg0: i32) -> (i32, i32) {
    %c0_i32 = arith.constant 0 : i32
    %c0_i32_0 = arith.constant 0 : i32
    %c0_i32_1 = arith.constant 0 : i32
    return %c0_i32, %c0_i32_0 : i32, i32
  }
}

module attributes {stable_mosaic.version = 14 : i64} {
  func.func @_head3_body(%arg0: memref<8x1024xf32, #tpu.memory_space<vmem>>, %arg1: memref<8x1024xf32, #tpu.memory_space<vmem>>, %arg2: memref<1x1024xf32, #tpu.memory_space<vmem>>, %arg3: memref<1x1024xf32, #tpu.memory_space<vmem>>, %arg4: memref<1x1024xf32, #tpu.memory_space<vmem>>, %arg5: memref<1x1024xf32, #tpu.memory_space<vmem>>, %arg6: memref<2048x512xbf16, #tpu.memory_space<vmem>>, %arg7: memref<1x512xf32, #tpu.memory_space<vmem>>, %arg8: memref<1x512xf32, #tpu.memory_space<vmem>>, %arg9: memref<512x256xbf16, #tpu.memory_space<vmem>>, %arg10: memref<1x256xf32, #tpu.memory_space<vmem>>, %arg11: memref<1x256xf32, #tpu.memory_space<vmem>>, %arg12: memref<1x256xf32, #tpu.memory_space<vmem>>, %arg13: memref<256x40xbf16, #tpu.memory_space<vmem>>, %arg14: memref<1x40xf32, #tpu.memory_space<vmem>>, %arg15: memref<4x40xf32, #tpu.memory_space<vmem>>) attributes {dimension_semantics = [], scalar_prefetch = 0 : i64, scratch_operands = 0 : i64, tpu.core_type = #tpu.core_type<tc>} {
    %get3A = arith.constant 0 : index
    %get3A_0 = arith.constant 0 : index
    %get3A_1 = vector.load %arg0[%get3A, %get3A_0] : memref<8x1024xf32, #tpu.memory_space<vmem>>, vector<4x1024xf32>
    %get3A_2 = arith.constant 0 : index
    %get3A_3 = arith.constant 0 : index
    %get3A_4 = vector.load %arg2[%get3A_2, %get3A_3] : memref<1x1024xf32, #tpu.memory_space<vmem>>, vector<1x1024xf32>
    %sub3A = vector.broadcast %get3A_4 : vector<1x1024xf32> to vector<4x1024xf32>
    %sub3A_5 = arith.subf %get3A_1, %sub3A : vector<4x1024xf32>
    %get3A_6 = arith.constant 0 : index
    %get3A_7 = arith.constant 0 : index
    %get3A_8 = vector.load %arg3[%get3A_6, %get3A_7] : memref<1x1024xf32, #tpu.memory_space<vmem>>, vector<1x1024xf32>
    %mul3A = vector.broadcast %get3A_8 : vector<1x1024xf32> to vector<4x1024xf32>
    %mul3A_9 = arith.mulf %sub3A_5, %mul3A : vector<4x1024xf32>
    %get3A_10 = arith.constant 0 : index
    %get3A_11 = arith.constant 0 : index
    %get3A_12 = vector.load %arg4[%get3A_10, %get3A_11] : memref<1x1024xf32, #tpu.memory_space<vmem>>, vector<1x1024xf32>
    %mul3A_13 = vector.broadcast %get3A_12 : vector<1x1024xf32> to vector<4x1024xf32>
    %mul3A_14 = arith.mulf %mul3A_9, %mul3A_13 : vector<4x1024xf32>
    %get3A_15 = arith.constant 0 : index
    %get3A_16 = arith.constant 0 : index
    %get3A_17 = vector.load %arg5[%get3A_15, %get3A_16] : memref<1x1024xf32, #tpu.memory_space<vmem>>, vector<1x1024xf32>
    %add3A = vector.broadcast %get3A_17 : vector<1x1024xf32> to vector<4x1024xf32>
    %add3A_18 = arith.addf %mul3A_14, %add3A : vector<4x1024xf32>
    %ge3A = arith.constant 0.000000e+00 : f32
    %ge3A_19 = vector.broadcast %ge3A : f32 to vector<4x1024xf32>
    %ge3A_20 = arith.cmpf oge, %add3A_18, %ge3A_19 : vector<4x1024xf32>
    %mul3A_21 = arith.constant 2.000000e-01 : f32
    %mul3A_22 = vector.broadcast %mul3A_21 : f32 to vector<4x1024xf32>
    %mul3A_23 = arith.mulf %mul3A_22, %add3A_18 : vector<4x1024xf32>
    %select_n3A = arith.select %ge3A_20, %add3A_18, %mul3A_23 : vector<4x1024xi1>, vector<4x1024xf32>
    %get3A_24 = arith.constant 0 : index
    %get3A_25 = arith.constant 0 : index
    %get3A_26 = vector.load %arg1[%get3A_24, %get3A_25] : memref<8x1024xf32, #tpu.memory_space<vmem>>, vector<4x1024xf32>
    %concatenate3A = tpu.concatenate %select_n3A, %get3A_26 in 1 : vector<4x1024xf32>, vector<4x1024xf32> -> vector<4x2048xf32>
    %convert_element_type3A = arith.truncf %concatenate3A : vector<4x2048xf32> to vector<4x2048xbf16>
    %get3A_27 = arith.constant 0 : index
    %get3A_28 = arith.constant 0 : index
    %get3A_29 = vector.load %arg6[%get3A_27, %get3A_28] : memref<2048x512xbf16, #tpu.memory_space<vmem>>, vector<2048x512xbf16>
    %dot_general3A = arith.constant dense<0.000000e+00> : vector<4x512xf32>
    %dot_general3A_30 = tpu.matmul %convert_element_type3A, %get3A_29, %dot_general3A {dimension_numbers = #tpu.dot_dimension_numbers<[1], [0], [0], [1], [0, 0, 1, 1], [], []>, transpose_lhs_hint = false} : vector<4x2048xbf16>, vector<2048x512xbf16>, vector<4x512xf32> -> vector<4x512xf32>
    %get3A_31 = arith.constant 0 : index
    %get3A_32 = arith.constant 0 : index
    %get3A_33 = vector.load %arg7[%get3A_31, %get3A_32] : memref<1x512xf32, #tpu.memory_space<vmem>>, vector<1x512xf32>
    %get3A_34 = arith.constant 0 : index
    %get3A_35 = arith.constant 0 : index
    %get3A_36 = vector.load %arg8[%get3A_34, %get3A_35] : memref<1x512xf32, #tpu.memory_space<vmem>>, vector<1x512xf32>
    %reduce_sum3A = arith.constant dense<0.000000e+00> : vector<512xf32>
    %reduce_sum3A_37 = vector.multi_reduction <add>, %dot_general3A_30, %reduce_sum3A [0] : vector<4x512xf32> to vector<512xf32>
    %broadcast_in_dim3A = vector.shape_cast %reduce_sum3A_37 : vector<512xf32> to vector<1x512xf32>
    %mul3A_38 = arith.constant 2.500000e-01 : f32
    %mul3A_39 = vector.broadcast %mul3A_38 : f32 to vector<1x512xf32>
    %mul3A_40 = arith.mulf %broadcast_in_dim3A, %mul3A_39 : vector<1x512xf32>
    %mul3A_41 = arith.mulf %dot_general3A_30, %dot_general3A_30 : vector<4x512xf32>
    %reduce_sum3A_42 = arith.constant dense<0.000000e+00> : vector<512xf32>
    %reduce_sum3A_43 = vector.multi_reduction <add>, %mul3A_41, %reduce_sum3A_42 [0] : vector<4x512xf32> to vector<512xf32>
    %broadcast_in_dim3A_44 = vector.shape_cast %reduce_sum3A_43 : vector<512xf32> to vector<1x512xf32>
    %mul3A_45 = arith.constant 2.500000e-01 : f32
    %mul3A_46 = vector.broadcast %mul3A_45 : f32 to vector<1x512xf32>
    %mul3A_47 = arith.mulf %broadcast_in_dim3A_44, %mul3A_46 : vector<1x512xf32>
    %mul3A_48 = arith.mulf %mul3A_40, %mul3A_40 : vector<1x512xf32>
    %sub3A_49 = arith.subf %mul3A_47, %mul3A_48 : vector<1x512xf32>
    %sub3A_50 = vector.broadcast %mul3A_40 : vector<1x512xf32> to vector<4x512xf32>
    %sub3A_51 = arith.subf %dot_general3A_30, %sub3A_50 : vector<4x512xf32>
    %add3A_52 = arith.constant 9.99999974E-6 : f32
    %add3A_53 = vector.broadcast %add3A_52 : f32 to vector<1x512xf32>
    %add3A_54 = arith.addf %sub3A_49, %add3A_53 : vector<1x512xf32>
    %rsqrt3A = math.rsqrt %add3A_54 : vector<1x512xf32>
    %mul3A_55 = arith.mulf %rsqrt3A, %get3A_33 : vector<1x512xf32>
    %mul3A_56 = vector.broadcast %mul3A_55 : vector<1x512xf32> to vector<4x512xf32>
    %mul3A_57 = arith.mulf %sub3A_51, %mul3A_56 : vector<4x512xf32>
    %add3A_58 = vector.broadcast %get3A_36 : vector<1x512xf32> to vector<4x512xf32>
    %add3A_59 = arith.addf %mul3A_57, %add3A_58 : vector<4x512xf32>
    %ge3A_60 = arith.constant 0.000000e+00 : f32
    %ge3A_61 = vector.broadcast %ge3A_60 : f32 to vector<4x512xf32>
    %ge3A_62 = arith.cmpf oge, %add3A_59, %ge3A_61 : vector<4x512xf32>
    %mul3A_63 = arith.constant 2.000000e-01 : f32
    %mul3A_64 = vector.broadcast %mul3A_63 : f32 to vector<4x512xf32>
    %mul3A_65 = arith.mulf %mul3A_64, %add3A_59 : vector<4x512xf32>
    %select_n3A_66 = arith.select %ge3A_62, %add3A_59, %mul3A_65 : vector<4x512xi1>, vector<4x512xf32>
    %convert_element_type3A_67 = arith.truncf %select_n3A_66 : vector<4x512xf32> to vector<4x512xbf16>
    %get3A_68 = arith.constant 0 : index
    %get3A_69 = arith.constant 0 : index
    %get3A_70 = vector.load %arg9[%get3A_68, %get3A_69] : memref<512x256xbf16, #tpu.memory_space<vmem>>, vector<512x256xbf16>
    %dot_general3A_71 = arith.constant dense<0.000000e+00> : vector<4x256xf32>
    %dot_general3A_72 = tpu.matmul %convert_element_type3A_67, %get3A_70, %dot_general3A_71 {dimension_numbers = #tpu.dot_dimension_numbers<[1], [0], [0], [1], [0, 0, 1, 1], [], []>, transpose_lhs_hint = false} : vector<4x512xbf16>, vector<512x256xbf16>, vector<4x256xf32> -> vector<4x256xf32>
    %get3A_73 = arith.constant 0 : index
    %get3A_74 = arith.constant 0 : index
    %get3A_75 = vector.load %arg10[%get3A_73, %get3A_74] : memref<1x256xf32, #tpu.memory_space<vmem>>, vector<1x256xf32>
    %add3A_76 = vector.broadcast %get3A_75 : vector<1x256xf32> to vector<4x256xf32>
    %add3A_77 = arith.addf %dot_general3A_72, %add3A_76 : vector<4x256xf32>
    %get3A_78 = arith.constant 0 : index
    %get3A_79 = arith.constant 0 : index
    %get3A_80 = vector.load %arg11[%get3A_78, %get3A_79] : memref<1x256xf32, #tpu.memory_space<vmem>>, vector<1x256xf32>
    %get3A_81 = arith.constant 0 : index
    %get3A_82 = arith.constant 0 : index
    %get3A_83 = vector.load %arg12[%get3A_81, %get3A_82] : memref<1x256xf32, #tpu.memory_space<vmem>>, vector<1x256xf32>
    %reduce_sum3A_84 = arith.constant dense<0.000000e+00> : vector<256xf32>
    %reduce_sum3A_85 = vector.multi_reduction <add>, %add3A_77, %reduce_sum3A_84 [0] : vector<4x256xf32> to vector<256xf32>
    %broadcast_in_dim3A_86 = vector.shape_cast %reduce_sum3A_85 : vector<256xf32> to vector<1x256xf32>
    %mul3A_87 = arith.constant 2.500000e-01 : f32
    %mul3A_88 = vector.broadcast %mul3A_87 : f32 to vector<1x256xf32>
    %mul3A_89 = arith.mulf %broadcast_in_dim3A_86, %mul3A_88 : vector<1x256xf32>
    %mul3A_90 = arith.mulf %add3A_77, %add3A_77 : vector<4x256xf32>
    %reduce_sum3A_91 = arith.constant dense<0.000000e+00> : vector<256xf32>
    %reduce_sum3A_92 = vector.multi_reduction <add>, %mul3A_90, %reduce_sum3A_91 [0] : vector<4x256xf32> to vector<256xf32>
    %broadcast_in_dim3A_93 = vector.shape_cast %reduce_sum3A_92 : vector<256xf32> to vector<1x256xf32>
    %mul3A_94 = arith.constant 2.500000e-01 : f32
    %mul3A_95 = vector.broadcast %mul3A_94 : f32 to vector<1x256xf32>
    %mul3A_96 = arith.mulf %broadcast_in_dim3A_93, %mul3A_95 : vector<1x256xf32>
    %mul3A_97 = arith.mulf %mul3A_89, %mul3A_89 : vector<1x256xf32>
    %sub3A_98 = arith.subf %mul3A_96, %mul3A_97 : vector<1x256xf32>
    %sub3A_99 = vector.broadcast %mul3A_89 : vector<1x256xf32> to vector<4x256xf32>
    %sub3A_100 = arith.subf %add3A_77, %sub3A_99 : vector<4x256xf32>
    %add3A_101 = arith.constant 9.99999974E-6 : f32
    %add3A_102 = vector.broadcast %add3A_101 : f32 to vector<1x256xf32>
    %add3A_103 = arith.addf %sub3A_98, %add3A_102 : vector<1x256xf32>
    %rsqrt3A_104 = math.rsqrt %add3A_103 : vector<1x256xf32>
    %mul3A_105 = arith.mulf %rsqrt3A_104, %get3A_80 : vector<1x256xf32>
    %mul3A_106 = vector.broadcast %mul3A_105 : vector<1x256xf32> to vector<4x256xf32>
    %mul3A_107 = arith.mulf %sub3A_100, %mul3A_106 : vector<4x256xf32>
    %add3A_108 = vector.broadcast %get3A_83 : vector<1x256xf32> to vector<4x256xf32>
    %add3A_109 = arith.addf %mul3A_107, %add3A_108 : vector<4x256xf32>
    %ge3A_110 = arith.constant 0.000000e+00 : f32
    %ge3A_111 = vector.broadcast %ge3A_110 : f32 to vector<4x256xf32>
    %ge3A_112 = arith.cmpf oge, %add3A_109, %ge3A_111 : vector<4x256xf32>
    %mul3A_113 = arith.constant 2.000000e-01 : f32
    %mul3A_114 = vector.broadcast %mul3A_113 : f32 to vector<4x256xf32>
    %mul3A_115 = arith.mulf %mul3A_114, %add3A_109 : vector<4x256xf32>
    %select_n3A_116 = arith.select %ge3A_112, %add3A_109, %mul3A_115 : vector<4x256xi1>, vector<4x256xf32>
    %convert_element_type3A_117 = arith.truncf %select_n3A_116 : vector<4x256xf32> to vector<4x256xbf16>
    %get3A_118 = arith.constant 0 : index
    %get3A_119 = arith.constant 0 : index
    %get3A_120 = vector.load %arg13[%get3A_118, %get3A_119] : memref<256x40xbf16, #tpu.memory_space<vmem>>, vector<256x40xbf16>
    %dot_general3A_121 = arith.constant dense<0.000000e+00> : vector<4x40xf32>
    %dot_general3A_122 = tpu.matmul %convert_element_type3A_117, %get3A_120, %dot_general3A_121 {dimension_numbers = #tpu.dot_dimension_numbers<[1], [0], [0], [1], [0, 0, 1, 1], [], []>, transpose_lhs_hint = false} : vector<4x256xbf16>, vector<256x40xbf16>, vector<4x40xf32> -> vector<4x40xf32>
    %get3A_123 = arith.constant 0 : index
    %get3A_124 = arith.constant 0 : index
    %get3A_125 = vector.load %arg14[%get3A_123, %get3A_124] : memref<1x40xf32, #tpu.memory_space<vmem>>, vector<1x40xf32>
    %add3A_126 = vector.broadcast %get3A_125 : vector<1x40xf32> to vector<4x40xf32>
    %add3A_127 = arith.addf %dot_general3A_122, %add3A_126 : vector<4x40xf32>
    %swap3A = arith.constant 0 : index
    %swap3A_128 = arith.constant 0 : index
    %swap3A_129 = vector.load %arg15[%swap3A, %swap3A_128] : memref<4x40xf32, #tpu.memory_space<vmem>>, vector<4x40xf32>
    tpu.vector_store %arg15[%swap3A, %swap3A_128], %add3A_127 {strides = array<i32>} : memref<4x40xf32, #tpu.memory_space<vmem>>, vector<4x40xf32>,
    return
  }
}

</mosaic_0001>

<sc_bundles>
// kernel: kernel.17.cloned.1.call-start
scs
__scs_entry_jumppad:
0x0: {  	(pc) =	sbr.rel $0x88, $3  }
0x1: {  	(tag) =	ssettag $0x0;
	lr =	simm.s32 $0x1  }
0x2: {  	[smem:$0x3F87] =	sst lr;
	_ =	strace $0xD0000000  }
0x3: {  	_ = 	snop  }
0x4: {  	_ = 	snop  }
0x5: {  	_ = 	snop  }
0x6: {  	_ = 	snop  }
0x7: {  	_ = 	snop  }
__scs_overlays_trampoline_lowered:
0x8: {  	[smem:$0x3F96] =	sst s0  }
0x9: {  	[smem:$0x3F97] =	sst s1  }
0xa: {  	[smem:$0x3F98] =	sst s2  }
0xb: {  	[smem:$0x3F99] =	sst s3  }
0xc: {  	[smem:$0x3F9A] =	sst s4  }
0xd: {  	[smem:$0x3F9B] =	sst s5  }
0xe: {  	[smem:$0x3F9C] =	sst s6  }
0xf: {  	[smem:$0x3F9D] =	sst s7  }
0x10: {  	[smem:$0x3F9E] =	sst s8  }
0x11: {  	[smem:$0x3F9F] =	sst s9;
	s0 =	simm.s32 @!p0 $0x0  }
0x12: {  	s1 =	sld [smem:$0x3F85];
	s0 =	simm.s32 @p0 $0x1  }
0x13: {  	[smem:$0x3FA0] =	sst s0;
	s0 =	simm.s32 @!p1 $0x0  }
0x14: {  	s2 =	sld [smem:$0x3F84];
	s0 =	simm.s32 @p1 $0x1  }
0x15: {  	[smem:$0x3FA1] =	sst s0;
	s0 =	simm.s32 @!p2 $0x0  }
0x16: {  	s3 =	sld [smem:$0x3FDB];
	s0 =	simm.s32 @p2 $0x1  }
0x17: {  	s4 =	simm.s32 $0x1BF5;
	[smem:$0x3FA3] =	sst s0  }
0x18: {  	s0 =	sld [smem:$0x3F86];
	_ =	swait.ge [sflag:s4], $0x0  }
0x19: {  	s7 =	sld [smem:$0x3F87]  }
0x1a: {  	s8 =	sadd.s32 $0xFFFFE003, lr  }
0x1b: {  	s9 =	sadd.s32 $0xFFFFFEF7, lr;
	s5 =	simm.s32 $0xFFFFFFFF;
	p2 =	slt.u32 s8, $0xFFFFF086  }
0x1c: {  	p1 =	slt.u32 s9, $0xF7A;
	s5 =	simm.s32 @!p2 $0x0  }
0x1d: {  	s5 =	simm.s32 @p1 $0x1;
	p0 =	seq.s32 s7, s2  }
0x1e: {  	s7 =	smul.u32 @!p0 $0xF7A, s2;
	p2 =	seq.s32 @!p0 s5, $0x0  }
0x1f: {  	s9 =	smul.u32 $0xF7A, s1;
	s8 =	simm.s32 @!p0 $0x1BF5;
	p2 =	por !p2, p0  }
0x20: {  	[sflag:s8] =	ssyncset.s32 @!p0 $0xFFFFF086;
	s6 =	sadd.s32 @!p0 s3, s7;
	s7 =	simm.s32 @!p0 $0x108  }
0x21: {  	s3 =	sadd.s32 s3, s9;
	s6 =	sadd.s32 @!p0 $0x88, s6;
	s7 =	simm.s32 @p2 $0x1082  }
0x22: {  	[simem:s7], [sflag:s8] =	dma.local @!p0 [hbm:s6], $0xF7A  }
0x23: {  	s9 =	sor.u32 $0xD0000000, s2;
	s6 =	simm.s32 $0x108;
	_ =	swait.ge @!p0 [sflag:s8], $0x0  }
0x24: {  	s3 =	sadd.s32 $0x88, s3;
	s6 =	simm.s32 @!p1 $0x1082;
	[sflag:s4] =	ssyncset.s32 $0xFFFFF086  }
0x25: {  	[simem:s6], [sflag:s4] =	dma.local [hbm:s3], $0xF7A  }
0x26: {  	[smem:$0x3F87] =	sst s1;
	(tag) =	ssettag s2;
	_ =	strace s9  }
0x27: {  	s1 =	sld [smem:$0x3F97]  }
0x28: {  	s2 =	sld [smem:$0x3F98]  }
0x29: {  	s4 =	sld [smem:$0x3F9A]  }
0x2a: {  	p0 =	seq.s32 s5, $0x0;
	s5 =	sld [smem:$0x3F9B]  }
0x2b: {  	s6 =	sld [smem:$0x3F9C]  }
0x2c: {  	s7 =	sld [smem:$0x3F9D]  }
0x2d: {  	s3 =	simm.s32 $0x108;
	s8 =	sld [smem:$0x3F9E]  }
0x2e: {  	s3 =	simm.s32 @!p0 $0x1082;
	s9 =	sld [smem:$0x3F9F]  }
0x2f: {  	lr =	sadd.s32 s0, s3;
	s0 =	sld [smem:$0x3F96]  }
0x30: {  	s3 =	sld [smem:$0x3F99]  }
0x31: {  	[smem:$0x3FA2] =	sst s10  }
0x32: {  	s10 =	sld [smem:$0x3FA0];
	_ =	sdelay $0x3  }
0x33: {  	p0 =	seq.s32 s10, $0x1;
	s10 =	sld [smem:$0x3FA2];
	_ =	sdelay $0x3  }
0x34: {  	[smem:$0x3FA2] =	sst s10  }
0x35: {  	s10 =	sld [smem:$0x3FA1];
	_ =	sdelay $0x3  }
0x36: {  	p1 =	seq.s32 s10, $0x1;
	s10 =	sld [smem:$0x3FA2];
	_ =	sdelay $0x3  }
0x37: {  	[smem:$0x3FA2] =	sst s10  }
0x38: {  	s10 =	sld [smem:$0x3FA3]  }
0x39: {  	_ = 	snop;
	(pc) =	sbr.ind lr, $3  }
0x3a: {  	_ = 	snop  }
0x3b: {  	_ = 	snop  }
0x3c: {  	p2 =	seq.s32 s10, $0x1;
	s10 =	sld [smem:$0x3FA2]  }
0x3d: {  	_ =	shalt  }
0x3e: {  	_ =	shalt  }
0x3f: {  	_ =	shalt  }
0x40: {  	_ =	shalt  }
0x41: {  	_ =	shalt  }
0x42: {  	_ =	shalt  }
0x43: {  	_ =	shalt  }
0x44: {  	_ =	shalt  }
0x45: {  	_ =	shalt  }
0x46: {  	_ =	shalt  }
0x47: {  	_ =	shalt  }
0x48: {  	_ =	shalt  }
0x49: {  	_ =	shalt  }
0x4a: {  	_ =	shalt  }
0x4b: {  	_ =	shalt  }
0x4c: {  	_ =	shalt  }
0x4d: {  	_ =	shalt  }
0x4e: {  	_ =	shalt  }
0x4f: {  	_ =	shalt  }
0x50: {  	_ =	shalt  }
0x51: {  	_ =	shalt  }
0x52: {  	_ =	shalt  }
0x53: {  	_ =	shalt  }
0x54: {  	_ =	shalt  }
0x55: {  	_ =	shalt  }
0x56: {  	_ =	shalt  }
0x57: {  	_ =	shalt  }
0x58: {  	_ =	shalt  }
0x59: {  	_ =	shalt  }
0x5a: {  	_ =	shalt  }
0x5b: {  	_ =	shalt  }
0x5c: {  	_ =	shalt  }
0x5d: {  	_ =	shalt  }
0x5e: {  	_ =	shalt  }
0x5f: {  	_ =	shalt  }
0x60: {  	_ =	shalt  }
0x61: {  	_ =	shalt  }
0x62: {  	_ =	shalt  }
0x63: {  	_ =	shalt  }
0x64: {  	_ =	shalt  }
0x65: {  	_ =	shalt  }
0x66: {  	_ =	shalt  }
0x67: {  	_ =	shalt  }
0x68: {  	_ =	shalt  }
0x69: {  	_ =	shalt  }
0x6a: {  	_ =	shalt  }
0x6b: {  	_ =	shalt  }
0x6c: {  	_ =	shalt  }
0x6d: {  	_ =	shalt  }
0x6e: {  	_ =	shalt  }
0x6f: {  	_ =	shalt  }
0x70: {  	_ =	shalt  }
0x71: {  	_ =	shalt  }
0x72: {  	_ =	shalt  }
0x73: {  	_ =	shalt  }
0x74: {  	_ =	shalt  }
0x75: {  	_ =	shalt  }
0x76: {  	_ =	shalt  }
0x77: {  	_ =	shalt  }
0x78: {  	_ =	shalt  }
0x79: {  	_ =	shalt  }
0x7a: {  	_ =	shalt  }
0x7b: {  	_ =	shalt  }
0x7c: {  	_ =	shalt  }
0x7d: {  	_ =	shalt  }
0x7e: {  	_ =	shalt  }
0x7f: {  	_ =	shalt  }
0x80: {  	_ =	shalt  }
0x81: {  	_ =	shalt  }
0x82: {  	_ =	shalt  }
0x83: {  	_ =	shalt  }
0x84: {  	_ =	shalt  }
0x85: {  	_ =	shalt  }
0x86: {  	_ =	shalt  }
0x87: {  	_ =	shalt  }
.Lfunc_end0:
.L_simem_size_0:
called_computation_lowered:
.L_overlay_start_0:
0x88: {  	s2 =	sld [smem:$0x3FD9]  }
0x89: {  	s3 =	sld [smem:$0x3FFE];
	_ =	sdelay $0x1  }
0x8a: {  	s1 =	srdreg.scid  }
0x8b: {  	s0 =	sand.u32 $0x1, s1  }
0x8c: {  	s16 =	sshll.u32 s0, $0xA;
	s2 =	sadd.s32 s3, s2  }
0x8d: {  	s2 =	sadd.s32 s2, s16  }
0x8e: {  	[smem:$0x3FAE] =	sst s2  }
0x8f: {  	_ = 	snop  }
0x90: {  	(tm) =	ssettm $0x1  }
0x91: {  	s17 =	sld [smem:$0x3FFB];
	_ =	sdelay $0x3  }
0x92: {  	_ =	strace s17  }
0x93: {  	s2 =	sld [smem:$0x3FFC];
	_ =	sdelay $0x3  }
0x94: {  	_ =	strace s2  }
0x95: {  	s2 =	sld [smem:$0x3FFD];
	_ =	sdelay $0x3  }
0x96: {  	_ =	strace s2  }
0x97: {  	_ =	strace $0x8FFFFFFF  }
0x98: {  	s18 =	sld [smem:$0x3FDB];
	_ =	sdelay $0x1  }
0x99: {  	s19 =	simm.s32 $_scs_section_size  }
0x9a: {  	s4 =	simm.s32 $_size__tile_overlayer_lowered;
	s5 =	simm.s32 $_tile_overlayer_lowered  }
0x9b: {  	s22 =	simm.s32 $0x1BFF;
	s21 =	sshll.u32 s5, $0x1;
	s2 =	sadd.s32 s19, s18  }
0x9c: {  	s6 =	simm.s32 $0x0;
	s20 =	sshll.u32 s4, $0x1;
	s4 =	sadd.s32 s21, s2  }
0x9d: {  	[timem:s6], [sflag:s22] =	dma.local [hbm:s4], s20  }
0x9e: {  	_ =	swait.ge [sflag:s22], s20  }
0x9f: {  	s3 =	ssub.s32 $0x0, s20;
	[sflag:s22] =	ssyncset.done $0x0  }
0xa0: {  	[sflag:s22] =	ssyncadd.s32 s3;
	_ =	sdelay $0x1  }
0xa1: {  	s23 =	simm.s32 $0x1B8B  }
0xa2: {  	_ =	swait.ge [sflag:s23], $0x1  }
0xa3: {  	[sflag:s23] =	ssyncset.done $0x0  }
0xa4: {  	s25 =	simm.s32 $0x1B8E;
	s24 =	sld [smem:$0x3FFE];
	[sflag:s23] =	ssyncadd.s32 $0xFFFFFFFF  }
0xa5: {  	s26 =	simm.s32 $execute0_lowered;
	[smem:$0x3FD2] =	sst s25  }
0xa6: {  	s4 =	sshll.u32 s26, $0x1;
	_ =	strace $0x80000046;
	[dreg:$0x1] =	wrdreg $0xFFFFFFFF  }
0xa7: {  	s28 =	simm.s32 $_size_execute0_lowered;
	s2 =	sadd.s32 s2, s4;
	[dreg:$0x0] =	wrdreg $0x0  }
0xa8: {  	s4 =	sshll.u32 s28, $0x1;
	[dreg:$0x2] =	wrdreg s2  }
0xa9: {  	[dreg:$0x3] =	wrdreg s4  }
0xaa: {  	[dreg:$0x4] =	wrdreg $0xC0  }
0xab: {  	_ =	task [dreg:s6], $0x5FFFF  }
0xac: {  	[dreg:$0x1] =	wrdreg $0xFFFFFFFF  }
0xad: {  	[dreg:$0x0] =	wrdreg $0x60  }
0xae: {  	[dreg:$0x2] =	wrdreg s24  }
0xaf: {  	[dreg:$0x3] =	wrdreg $0x9  }
0xb0: {  	_ =	task.clear_ibuf [dreg:s6], $0x4FFFF;
	_ =	strace $0x90000046  }
0xb1: {  	s29 =	simm.s32 $0x9;
	_ =	strace $0x80000048  }
0xb2: {  	_ =	swait.ge [sflag:s29], $0x1  }
0xb3: {  	[sflag:s29] =	ssyncadd.s32 $0xFFFFFFFF  }
0xb4: {  	_ =	strace $0x90000048  }
0xb5: {  	_ =	sfence  }
0xb6: {  	s30 =	sld [smem:$0x0];
	_ =	sdelay $0x2  }
0xb7: {  	s31 =	sshll.u32 s1, $0xD;
	s1 =	sshrl.u32 s1, $0x2  }
0xb8: {  	s3 =	sand.u32 $0x4000, s31;
	s1 =	sadd.s32 s1, s30  }
0xb9: {  	s0 =	sor.u32 s3, s0;
	s1 =	sshll.u32 s1, $0x11  }
0xba: {  	s0 =	sor.u32 s1, s0  }
0xbb: {  	s0 =	sadd.s32 $0x8F2B, s0  }
0xbc: {  	[sflag:s0] =	ssyncadd.remote.s32 $0x1  }
0xbd: {  	_ =	sfence.sel $0xFFFF  }
0xbe: {  	[dreg:$0x0] =	wrdreg $0xFFFFFFFF;
	(pc) =	sbr.abs _section_cstart, $3  }
0xbf: {  	[dreg:$0x1] =	wrdreg $0xFFFFFFFF  }
0xc0: {  	_ =	task.clear_ibuf [dreg:s6], $0x2FFFF;
	_ =	strace $0x9FFFFFFF  }
0xc1: {  	(tm) =	ssettm $0x7FFFFFFF  }
tec
execute0_lowered:
.L_overlay_start_1:
0x0: {  	(tag) =	ssettag $0x1  }
0x1: {  	s1 =	srdreg.scid;
	s0 =	stileid.u32  }
0x2: {  	s4 =	rddreg [dreg:$0x0];
	s2 =	simm.s32 $0x0;
	s10 =	simm.s32 $0x1  }
0x3: {  	s11 =	simm.s32 $0x0;
	s3 =	sand.u32 $0x1, s1;
	s1 =	rddreg [dreg:$0x1]  }
0x4: {  	s5 =	sshll.u32 s0, $0x1;
	[smem:$0x7FF] =	sst s2;
	s6 =	smul.u32 $0x14000, s0  }
0x5: {  	s5 =	sor.u32 s3, s5;
	s7 =	ssub.s32 $0x2, s3;
	s9 =	smul.u32 $0xA000, s3  }
0x6: {  	_ =	strace $0x80000047;
	s5 =	smul.u32 $0xA00, s5;
	s8 =	sshrl.u32 s7, $0x1  }
0x7: {  	s3 =	sadd.s32 $0x5A00, s4;
	s6 =	sadd.s32 s6, s4;
	s7 =	ssub.s32 s7, s8  }
0x8: {  	s6 =	sadd.s32 s9, s6;
	s8 =	simm.s32 $0x50;
	s5 =	sshrl.u32 s5, $0x3  }
0x9: {  	s9 =	simm.s32 $0xA00;
	s6 =	sadd.s32 $0x15A00, s6;
	s5 =	sadd.s32 s5, s4  }
0xa: {  	s4 =	sadd.s32 $0x3200, s5;
	s5 =	smax.u32 s7, $0x1;
	s7 =	simm.s32 $0x2  }
.LBB2_1:
0xb: {  	[tilespmem:s2], [sflag:$0x2] =	stream.linear.gather [hbm4b:s4+s2], $0xA00, $0x38;
	[tilespmem:$0x3200] =	vst v63  }
0xc: {  	_ =	swait.ge [sflag:s7], $0xA00  }
0xd: {  	[sflag:s7] =	ssyncset.done $0x0  }
0xe: {  	s12 =	simm.s32 $0x0;
	[sflag:s7] =	ssyncadd.s32 $0xFFFFF600  }
0xf: {  	[tilespmem:s9], [sflag:$0x1] =	stream.indirect.gather [hbm4b:s3+s8], $0x80, s12, s8, $0xb8;
	[tilespmem:$0x3200] =	vst v63  }
0x10: {  	_ =	swait.ge [sflag:s10], $0x2800  }
0x11: {  	[sflag:s10] =	ssyncset.done $0x0  }
0x12: {  	[sflag:s10] =	ssyncadd.s32 $0xFFFFD800  }
0x13: {  	[hbm4b:s6+s2] =	stream.linear.scatter [tilespmem:s9], [sflag:$0x2], $0x2800, $0x38;
	[tilespmem:$0x3200] =	vst v63  }
0x14: {  	s13 =	simm.s32 $0x140;
	_ =	swait.ge [sflag:s7], $0x2800  }
0x15: {  	s14 =	simm.s32 $0x280;
	s12 =	sadd.s32 $0x500, s6;
	[sflag:s7] =	ssyncset.done $0x0  }
.LBB2_2:
0x16: {  	s15 =	sshra.s32 s13, $0x2  }
0x17: {  	[sflag:s7] =	ssyncadd.s32 $0xFFFFD800;
	s13 =	smov.u32 s14;
	s16 =	sadd.s32 $0x140, s14  }
0x18: {  	[tilespmem:s9], [sflag:$0x1] =	stream.indirect.gather [hbm4b:s3+s8], $0x80, s15, s8, $0xb8;
	[tilespmem:$0x3200] =	vst v63  }
0x19: {  	p0 =	sne.s32 s14, $0x26C0;
	_ =	swait.ge [sflag:s10], $0x2800  }
.Ltmp0:
0x1a: {  	[sflag:s10] =	ssyncset.done $0x0;
	(pc) =	sbr.rel @p0 .LBB2_2-.Ltmp0, $4  }
0x1b: {  	[sflag:s10] =	ssyncadd.s32 $0xFFFFD800  }
0x1c: {  	[hbm4b:s12+s2] =	stream.linear.scatter [tilespmem:s9], [sflag:$0x2], $0x2800, $0x38;
	[tilespmem:$0x3200] =	vst v63  }
0x1d: {  	_ =	swait.ge [sflag:s7], $0x2800  }
0x1e: {  	s14 =	smov.u32 s16;
	s12 =	sadd.s32 $0x500, s12;
	[sflag:s7] =	ssyncset.done $0x0  }
0x1f: {  	s13 =	sshra.s32 s13, $0x2;
	[sflag:s7] =	ssyncadd.s32 $0xFFFFD800  }
0x20: {  	[tilespmem:s9], [sflag:$0x1] =	stream.indirect.gather [hbm4b:s3+s8], $0x80, s13, s8, $0xb8;
	[tilespmem:$0x3200] =	vst v63  }
0x21: {  	s11 =	sadd.s32 $0x1, s11;
	_ =	swait.ge [sflag:s10], $0x2800  }
0x22: {  	p0 =	sne.s32 s11, s5;
	[sflag:s10] =	ssyncset.done $0x0  }
.Ltmp1:
0x23: {  	[sflag:s10] =	ssyncadd.s32 $0xFFFFD800;
	(pc) =	sbr.rel @p0 .LBB2_1-.Ltmp1, $4  }
0x24: {  	[hbm4b:s12+s2] =	stream.linear.scatter [tilespmem:s9], [sflag:$0x2], $0x2800, $0x38;
	[tilespmem:$0x3200] =	vst v63  }
0x25: {  	_ =	swait.ge [sflag:s7], $0x2800  }
0x26: {  	[sflag:s7] =	ssyncset.done $0x0  }
0x27: {  	[sflag:s7] =	ssyncadd.s32 $0xFFFFD800  }
0x28: {  	_ =	sfence.sel $0x180000  }
0x29: {  	[bflag:$0x0] =	sbarrier.arrive $0xFFFF  }
0x2a: {  	p0 =	sne.s32 s0, $0x0;
	_ =	strace $0x90000047  }
0x2b: {  	s0 =	sadd.s32 @!p0 $0x100000, s1;
	[bflag:$0x2] =	sbarrier.arrive $0xFFFF  }
0x2c: {  	[sflag:s0] =	ssyncadd.tile.s32 @!p0 $0x1;
	_ =	shalt  }
.Lfunc_end2:
_tile_overlayer_lowered:
.L_overlay_start_2:
0x2d: {  	(tag) =	ssettag $0x2  }
0x2e: {  	s0 =	rddreg [dreg:$0x0];
	s2 =	stileid.u32  }
0x2f: {  	s1 =	rddreg [dreg:$0x1];
	p0 =	sne.s32 s2, $0x0  }
0x30: {  	s3 =	rddreg [dreg:$0x2];
	[bflag:$0x3] =	sbarrier.arrive $0xFFFF;
	s2 =	simm.s32 @!p0 $0x1C02  }
0x31: {  	[timem:s3], [sflag:s2] =	dma.local @!p0 [hbm:s0], s1  }
0x32: {  	s0 =	simm.s32 @!p0 $0x2  }
0x33: {  	_ =	swait.ge @!p0 [sflag:s0], s1  }
0x34: {  	s1 =	ssub.s32 @!p0 $0x0, s1;
	[sflag:s0] =	ssyncset.done @!p0 $0x0  }
0x35: {  	[sflag:s0] =	ssyncadd.s32 @!p0 s1  }
0x36: {  	[bflag:$0x3] =	sbarrier.arrive $0xFFFF  }
0x37: {  	_ =	shalt  }

// kernel: kernel.20.cloned.1.call-start
scs
__scs_entry_jumppad:
0x0: {  	(pc) =	sbr.rel $0x88, $3  }
0x1: {  	(tag) =	ssettag $0x0;
	lr =	simm.s32 $0x1  }
0x2: {  	[smem:$0x3F87] =	sst lr;
	_ =	strace $0xD0000000  }
0x3: {  	_ = 	snop  }
0x4: {  	_ = 	snop  }
0x5: {  	_ = 	snop  }
0x6: {  	_ = 	snop  }
0x7: {  	_ = 	snop  }
__scs_overlays_trampoline_lowered:
0x8: {  	[smem:$0x3F96] =	sst s0  }
0x9: {  	[smem:$0x3F97] =	sst s1  }
0xa: {  	[smem:$0x3F98] =	sst s2  }
0xb: {  	[smem:$0x3F99] =	sst s3  }
0xc: {  	[smem:$0x3F9A] =	sst s4  }
0xd: {  	[smem:$0x3F9B] =	sst s5  }
0xe: {  	[smem:$0x3F9C] =	sst s6  }
0xf: {  	[smem:$0x3F9D] =	sst s7  }
0x10: {  	[smem:$0x3F9E] =	sst s8  }
0x11: {  	[smem:$0x3F9F] =	sst s9;
	s0 =	simm.s32 @!p0 $0x0  }
0x12: {  	s1 =	sld [smem:$0x3F85];
	s0 =	simm.s32 @p0 $0x1  }
0x13: {  	[smem:$0x3FA0] =	sst s0;
	s0 =	simm.s32 @!p1 $0x0  }
0x14: {  	s2 =	sld [smem:$0x3F84];
	s0 =	simm.s32 @p1 $0x1  }
0x15: {  	[smem:$0x3FA1] =	sst s0;
	s0 =	simm.s32 @!p2 $0x0  }
0x16: {  	s3 =	sld [smem:$0x3FDB];
	s0 =	simm.s32 @p2 $0x1  }
0x17: {  	s4 =	simm.s32 $0x1BF5;
	[smem:$0x3FA3] =	sst s0  }
0x18: {  	s0 =	sld [smem:$0x3F86];
	_ =	swait.ge [sflag:s4], $0x0  }
0x19: {  	s7 =	sld [smem:$0x3F87]  }
0x1a: {  	s8 =	sadd.s32 $0xFFFFE003, lr  }
0x1b: {  	s9 =	sadd.s32 $0xFFFFFEF7, lr;
	s5 =	simm.s32 $0xFFFFFFFF;
	p2 =	slt.u32 s8, $0xFFFFF086  }
0x1c: {  	p1 =	slt.u32 s9, $0xF7A;
	s5 =	simm.s32 @!p2 $0x0  }
0x1d: {  	s5 =	simm.s32 @p1 $0x1;
	p0 =	seq.s32 s7, s2  }
0x1e: {  	s7 =	smul.u32 @!p0 $0xF7A, s2;
	p2 =	seq.s32 @!p0 s5, $0x0  }
0x1f: {  	s9 =	smul.u32 $0xF7A, s1;
	s8 =	simm.s32 @!p0 $0x1BF5;
	p2 =	por !p2, p0  }
0x20: {  	[sflag:s8] =	ssyncset.s32 @!p0 $0xFFFFF086;
	s6 =	sadd.s32 @!p0 s3, s7;
	s7 =	simm.s32 @!p0 $0x108  }
0x21: {  	s3 =	sadd.s32 s3, s9;
	s6 =	sadd.s32 @!p0 $0x88, s6;
	s7 =	simm.s32 @p2 $0x1082  }
0x22: {  	[simem:s7], [sflag:s8] =	dma.local @!p0 [hbm:s6], $0xF7A  }
0x23: {  	s9 =	sor.u32 $0xD0000000, s2;
	s6 =	simm.s32 $0x108;
	_ =	swait.ge @!p0 [sflag:s8], $0x0  }
0x24: {  	s3 =	sadd.s32 $0x88, s3;
	s6 =	simm.s32 @!p1 $0x1082;
	[sflag:s4] =	ssyncset.s32 $0xFFFFF086  }
0x25: {  	[simem:s6], [sflag:s4] =	dma.local [hbm:s3], $0xF7A  }
0x26: {  	[smem:$0x3F87] =	sst s1;
	(tag) =	ssettag s2;
	_ =	strace s9  }
0x27: {  	s1 =	sld [smem:$0x3F97]  }
0x28: {  	s2 =	sld [smem:$0x3F98]  }
0x29: {  	s4 =	sld [smem:$0x3F9A]  }
0x2a: {  	p0 =	seq.s32 s5, $0x0;
	s5 =	sld [smem:$0x3F9B]  }
0x2b: {  	s6 =	sld [smem:$0x3F9C]  }
0x2c: {  	s7 =	sld [smem:$0x3F9D]  }
0x2d: {  	s3 =	simm.s32 $0x108;
	s8 =	sld [smem:$0x3F9E]  }
0x2e: {  	s3 =	simm.s32 @!p0 $0x1082;
	s9 =	sld [smem:$0x3F9F]  }
0x2f: {  	lr =	sadd.s32 s0, s3;
	s0 =	sld [smem:$0x3F96]  }
0x30: {  	s3 =	sld [smem:$0x3F99]  }
0x31: {  	[smem:$0x3FA2] =	sst s10  }
0x32: {  	s10 =	sld [smem:$0x3FA0];
	_ =	sdelay $0x3  }
0x33: {  	p0 =	seq.s32 s10, $0x1;
	s10 =	sld [smem:$0x3FA2];
	_ =	sdelay $0x3  }
0x34: {  	[smem:$0x3FA2] =	sst s10  }
0x35: {  	s10 =	sld [smem:$0x3FA1];
	_ =	sdelay $0x3  }
0x36: {  	p1 =	seq.s32 s10, $0x1;
	s10 =	sld [smem:$0x3FA2];
	_ =	sdelay $0x3  }
0x37: {  	[smem:$0x3FA2] =	sst s10  }
0x38: {  	s10 =	sld [smem:$0x3FA3]  }
0x39: {  	_ = 	snop;
	(pc) =	sbr.ind lr, $3  }
0x3a: {  	_ = 	snop  }
0x3b: {  	_ = 	snop  }
0x3c: {  	p2 =	seq.s32 s10, $0x1;
	s10 =	sld [smem:$0x3FA2]  }
0x3d: {  	_ =	shalt  }
0x3e: {  	_ =	shalt  }
0x3f: {  	_ =	shalt  }
0x40: {  	_ =	shalt  }
0x41: {  	_ =	shalt  }
0x42: {  	_ =	shalt  }
0x43: {  	_ =	shalt  }
0x44: {  	_ =	shalt  }
0x45: {  	_ =	shalt  }
0x46: {  	_ =	shalt  }
0x47: {  	_ =	shalt  }
0x48: {  	_ =	shalt  }
0x49: {  	_ =	shalt  }
0x4a: {  	_ =	shalt  }
0x4b: {  	_ =	shalt  }
0x4c: {  	_ =	shalt  }
0x4d: {  	_ =	shalt  }
0x4e: {  	_ =	shalt  }
0x4f: {  	_ =	shalt  }
0x50: {  	_ =	shalt  }
0x51: {  	_ =	shalt  }
0x52: {  	_ =	shalt  }
0x53: {  	_ =	shalt  }
0x54: {  	_ =	shalt  }
0x55: {  	_ =	shalt  }
0x56: {  	_ =	shalt  }
0x57: {  	_ =	shalt  }
0x58: {  	_ =	shalt  }
0x59: {  	_ =	shalt  }
0x5a: {  	_ =	shalt  }
0x5b: {  	_ =	shalt  }
0x5c: {  	_ =	shalt  }
0x5d: {  	_ =	shalt  }
0x5e: {  	_ =	shalt  }
0x5f: {  	_ =	shalt  }
0x60: {  	_ =	shalt  }
0x61: {  	_ =	shalt  }
0x62: {  	_ =	shalt  }
0x63: {  	_ =	shalt  }
0x64: {  	_ =	shalt  }
0x65: {  	_ =	shalt  }
0x66: {  	_ =	shalt  }
0x67: {  	_ =	shalt  }
0x68: {  	_ =	shalt  }
0x69: {  	_ =	shalt  }
0x6a: {  	_ =	shalt  }
0x6b: {  	_ =	shalt  }
0x6c: {  	_ =	shalt  }
0x6d: {  	_ =	shalt  }
0x6e: {  	_ =	shalt  }
0x6f: {  	_ =	shalt  }
0x70: {  	_ =	shalt  }
0x71: {  	_ =	shalt  }
0x72: {  	_ =	shalt  }
0x73: {  	_ =	shalt  }
0x74: {  	_ =	shalt  }
0x75: {  	_ =	shalt  }
0x76: {  	_ =	shalt  }
0x77: {  	_ =	shalt  }
0x78: {  	_ =	shalt  }
0x79: {  	_ =	shalt  }
0x7a: {  	_ =	shalt  }
0x7b: {  	_ =	shalt  }
0x7c: {  	_ =	shalt  }
0x7d: {  	_ =	shalt  }
0x7e: {  	_ =	shalt  }
0x7f: {  	_ =	shalt  }
0x80: {  	_ =	shalt  }
0x81: {  	_ =	shalt  }
0x82: {  	_ =	shalt  }
0x83: {  	_ =	shalt  }
0x84: {  	_ =	shalt  }
0x85: {  	_ =	shalt  }
0x86: {  	_ =	shalt  }
0x87: {  	_ =	shalt  }
.Lfunc_end0:
.L_simem_size_0:
called_computation.1_lowered:
.L_overlay_start_0:
0x88: {  	s2 =	sld [smem:$0x3FD9]  }
0x89: {  	s3 =	sld [smem:$0x3FFE];
	_ =	sdelay $0x1  }
0x8a: {  	s1 =	srdreg.scid  }
0x8b: {  	s0 =	sand.u32 $0x1, s1  }
0x8c: {  	s16 =	sshll.u32 s0, $0xA;
	s2 =	sadd.s32 s3, s2  }
0x8d: {  	s2 =	sadd.s32 s2, s16  }
0x8e: {  	[smem:$0x3FAE] =	sst s2  }
0x8f: {  	_ = 	snop  }
0x90: {  	(tm) =	ssettm $0x1  }
0x91: {  	s17 =	sld [smem:$0x3FFB];
	_ =	sdelay $0x3  }
0x92: {  	_ =	strace s17  }
0x93: {  	s2 =	sld [smem:$0x3FFC];
	_ =	sdelay $0x3  }
0x94: {  	_ =	strace s2  }
0x95: {  	s2 =	sld [smem:$0x3FFD];
	_ =	sdelay $0x3  }
0x96: {  	_ =	strace s2  }
0x97: {  	_ =	strace $0x8FFFFFFF  }
0x98: {  	s18 =	sld [smem:$0x3FDB];
	_ =	sdelay $0x1  }
0x99: {  	s19 =	simm.s32 $_scs_section_size  }
0x9a: {  	s4 =	simm.s32 $_size__tile_overlayer_lowered;
	s5 =	simm.s32 $_tile_overlayer_lowered  }
0x9b: {  	s22 =	simm.s32 $0x1BFF;
	s21 =	sshll.u32 s5, $0x1;
	s2 =	sadd.s32 s19, s18  }
0x9c: {  	s6 =	simm.s32 $0x0;
	s20 =	sshll.u32 s4, $0x1;
	s4 =	sadd.s32 s21, s2  }
0x9d: {  	[timem:s6], [sflag:s22] =	dma.local [hbm:s4], s20  }
0x9e: {  	_ =	swait.ge [sflag:s22], s20  }
0x9f: {  	s3 =	ssub.s32 $0x0, s20;
	[sflag:s22] =	ssyncset.done $0x0  }
0xa0: {  	[sflag:s22] =	ssyncadd.s32 s3;
	_ =	sdelay $0x1  }
0xa1: {  	s23 =	simm.s32 $0x1B8B  }
0xa2: {  	_ =	swait.ge [sflag:s23], $0x1  }
0xa3: {  	[sflag:s23] =	ssyncset.done $0x0  }
0xa4: {  	s25 =	simm.s32 $0x1B8E;
	s24 =	sld [smem:$0x3FFE];
	[sflag:s23] =	ssyncadd.s32 $0xFFFFFFFF  }
0xa5: {  	s26 =	simm.s32 $execute0_lowered;
	[smem:$0x3FD2] =	sst s25  }
0xa6: {  	s4 =	sshll.u32 s26, $0x1;
	_ =	strace $0x80000049;
	[dreg:$0x1] =	wrdreg $0xFFFFFFFF  }
0xa7: {  	s28 =	simm.s32 $_size_execute0_lowered;
	s2 =	sadd.s32 s2, s4;
	[dreg:$0x0] =	wrdreg $0x0  }
0xa8: {  	s4 =	sshll.u32 s28, $0x1;
	[dreg:$0x2] =	wrdreg s2  }
0xa9: {  	[dreg:$0x3] =	wrdreg s4  }
0xaa: {  	[dreg:$0x4] =	wrdreg $0xC0  }
0xab: {  	_ =	task [dreg:s6], $0x5FFFF  }
0xac: {  	[dreg:$0x1] =	wrdreg $0xFFFFFFFF  }
0xad: {  	[dreg:$0x0] =	wrdreg $0x60  }
0xae: {  	[dreg:$0x2] =	wrdreg s24  }
0xaf: {  	[dreg:$0x3] =	wrdreg $0x9  }
0xb0: {  	_ =	task.clear_ibuf [dreg:s6], $0x4FFFF;
	_ =	strace $0x90000049  }
0xb1: {  	s29 =	simm.s32 $0x9;
	_ =	strace $0x8000004B  }
0xb2: {  	_ =	swait.ge [sflag:s29], $0x1  }
0xb3: {  	[sflag:s29] =	ssyncadd.s32 $0xFFFFFFFF  }
0xb4: {  	_ =	strace $0x9000004B  }
0xb5: {  	_ =	sfence  }
0xb6: {  	s30 =	sld [smem:$0x0];
	_ =	sdelay $0x2  }
0xb7: {  	s31 =	sshll.u32 s1, $0xD;
	s1 =	sshrl.u32 s1, $0x2  }
0xb8: {  	s3 =	sand.u32 $0x4000, s31;
	s1 =	sadd.s32 s1, s30  }
0xb9: {  	s0 =	sor.u32 s3, s0;
	s1 =	sshll.u32 s1, $0x11  }
0xba: {  	s0 =	sor.u32 s1, s0  }
0xbb: {  	s0 =	sadd.s32 $0x8F2B, s0  }
0xbc: {  	[sflag:s0] =	ssyncadd.remote.s32 $0x1  }
0xbd: {  	_ =	sfence.sel $0xFFFF  }
0xbe: {  	[dreg:$0x0] =	wrdreg $0xFFFFFFFF;
	(pc) =	sbr.abs _section_cstart, $3  }
0xbf: {  	[dreg:$0x1] =	wrdreg $0xFFFFFFFF  }
0xc0: {  	_ =	task.clear_ibuf [dreg:s6], $0x2FFFF;
	_ =	strace $0x9FFFFFFF  }
0xc1: {  	(tm) =	ssettm $0x7FFFFFFF  }
tec
execute0_lowered:
.L_overlay_start_1:
0x0: {  	(tag) =	ssettag $0x1  }
0x1: {  	s1 =	srdreg.scid;
	s0 =	stileid.u32  }
0x2: {  	s4 =	rddreg [dreg:$0x0];
	s2 =	simm.s32 $0x0;
	s10 =	simm.s32 $0x1  }
0x3: {  	s11 =	simm.s32 $0x0;
	s3 =	sand.u32 $0x1, s1;
	s1 =	rddreg [dreg:$0x1]  }
0x4: {  	s5 =	sshll.u32 s0, $0x1;
	[smem:$0x7FF] =	sst s2;
	s6 =	smul.u32 $0x14000, s0  }
0x5: {  	s5 =	sor.u32 s3, s5;
	s7 =	ssub.s32 $0x2, s3;
	s9 =	smul.u32 $0xA000, s3  }
0x6: {  	_ =	strace $0x8000004A;
	s5 =	smul.u32 $0xA00, s5;
	s8 =	sshrl.u32 s7, $0x1  }
0x7: {  	s3 =	sadd.s32 $0x5A00, s4;
	s6 =	sadd.s32 s6, s4;
	s7 =	ssub.s32 s7, s8  }
0x8: {  	s6 =	sadd.s32 s9, s6;
	s8 =	simm.s32 $0x50;
	s5 =	sshrl.u32 s5, $0x3  }
0x9: {  	s9 =	simm.s32 $0xA00;
	s6 =	sadd.s32 $0x15A00, s6;
	s5 =	sadd.s32 s5, s4  }
0xa: {  	s4 =	sadd.s32 $0x3200, s5;
	s5 =	smax.u32 s7, $0x1;
	s7 =	simm.s32 $0x2  }
.LBB2_1:
0xb: {  	[tilespmem:s2], [sflag:$0x2] =	stream.linear.gather [hbm4b:s4+s2], $0xA00, $0x38;
	[tilespmem:$0x3200] =	vst v63  }
0xc: {  	_ =	swait.ge [sflag:s7], $0xA00  }
0xd: {  	[sflag:s7] =	ssyncset.done $0x0  }
0xe: {  	s12 =	simm.s32 $0x0;
	[sflag:s7] =	ssyncadd.s32 $0xFFFFF600  }
0xf: {  	[tilespmem:s9], [sflag:$0x1] =	stream.indirect.gather [hbm4b:s3+s8], $0x80, s12, s8, $0xb8;
	[tilespmem:$0x3200] =	vst v63  }
0x10: {  	_ =	swait.ge [sflag:s10], $0x2800  }
0x11: {  	[sflag:s10] =	ssyncset.done $0x0  }
0x12: {  	[sflag:s10] =	ssyncadd.s32 $0xFFFFD800  }
0x13: {  	[hbm4b:s6+s2] =	stream.linear.scatter [tilespmem:s9], [sflag:$0x2], $0x2800, $0x38;
	[tilespmem:$0x3200] =	vst v63  }
0x14: {  	s13 =	simm.s32 $0x140;
	_ =	swait.ge [sflag:s7], $0x2800  }
0x15: {  	s14 =	simm.s32 $0x280;
	s12 =	sadd.s32 $0x500, s6;
	[sflag:s7] =	ssyncset.done $0x0  }
.LBB2_2:
0x16: {  	s15 =	sshra.s32 s13, $0x2  }
0x17: {  	[sflag:s7] =	ssyncadd.s32 $0xFFFFD800;
	s13 =	smov.u32 s14;
	s16 =	sadd.s32 $0x140, s14  }
0x18: {  	[tilespmem:s9], [sflag:$0x1] =	stream.indirect.gather [hbm4b:s3+s8], $0x80, s15, s8, $0xb8;
	[tilespmem:$0x3200] =	vst v63  }
0x19: {  	p0 =	sne.s32 s14, $0x26C0;
	_ =	swait.ge [sflag:s10], $0x2800  }
.Ltmp0:
0x1a: {  	[sflag:s10] =	ssyncset.done $0x0;
	(pc) =	sbr.rel @p0 .LBB2_2-.Ltmp0, $4  }
0x1b: {  	[sflag:s10] =	ssyncadd.s32 $0xFFFFD800  }
0x1c: {  	[hbm4b:s12+s2] =	stream.linear.scatter [tilespmem:s9], [sflag:$0x2], $0x2800, $0x38;
	[tilespmem:$0x3200] =	vst v63  }
0x1d: {  	_ =	swait.ge [sflag:s7], $0x2800  }
0x1e: {  	s14 =	smov.u32 s16;
	s12 =	sadd.s32 $0x500, s12;
	[sflag:s7] =	ssyncset.done $0x0  }
0x1f: {  	s13 =	sshra.s32 s13, $0x2;
	[sflag:s7] =	ssyncadd.s32 $0xFFFFD800  }
0x20: {  	[tilespmem:s9], [sflag:$0x1] =	stream.indirect.gather [hbm4b:s3+s8], $0x80, s13, s8, $0xb8;
	[tilespmem:$0x3200] =	vst v63  }
0x21: {  	s11 =	sadd.s32 $0x1, s11;
	_ =	swait.ge [sflag:s10], $0x2800  }
0x22: {  	p0 =	sne.s32 s11, s5;
	[sflag:s10] =	ssyncset.done $0x0  }
.Ltmp1:
0x23: {  	[sflag:s10] =	ssyncadd.s32 $0xFFFFD800;
	(pc) =	sbr.rel @p0 .LBB2_1-.Ltmp1, $4  }
0x24: {  	[hbm4b:s12+s2] =	stream.linear.scatter [tilespmem:s9], [sflag:$0x2], $0x2800, $0x38;
	[tilespmem:$0x3200] =	vst v63  }
0x25: {  	_ =	swait.ge [sflag:s7], $0x2800  }
0x26: {  	[sflag:s7] =	ssyncset.done $0x0  }
0x27: {  	[sflag:s7] =	ssyncadd.s32 $0xFFFFD800  }
0x28: {  	_ =	sfence.sel $0x180000  }
0x29: {  	[bflag:$0x0] =	sbarrier.arrive $0xFFFF  }
0x2a: {  	p0 =	sne.s32 s0, $0x0;
	_ =	strace $0x9000004A  }
0x2b: {  	s0 =	sadd.s32 @!p0 $0x100000, s1;
	[bflag:$0x2] =	sbarrier.arrive $0xFFFF  }
0x2c: {  	[sflag:s0] =	ssyncadd.tile.s32 @!p0 $0x1;
	_ =	shalt  }
.Lfunc_end2:
_tile_overlayer_lowered:
.L_overlay_start_2:
0x2d: {  	(tag) =	ssettag $0x2  }
0x2e: {  	s0 =	rddreg [dreg:$0x0];
	s2 =	stileid.u32  }
0x2f: {  	s1 =	rddreg [dreg:$0x1];
	p0 =	sne.s32 s2, $0x0  }
0x30: {  	s3 =	rddreg [dreg:$0x2];
	[bflag:$0x3] =	sbarrier.arrive $0xFFFF;
	s2 =	simm.s32 @!p0 $0x1C02  }
0x31: {  	[timem:s3], [sflag:s2] =	dma.local @!p0 [hbm:s0], s1  }
0x32: {  	s0 =	simm.s32 @!p0 $0x2  }
0x33: {  	_ =	swait.ge @!p0 [sflag:s0], s1  }
0x34: {  	s1 =	ssub.s32 @!p0 $0x0, s1;
	[sflag:s0] =	ssyncset.done @!p0 $0x0  }
0x35: {  	[sflag:s0] =	ssyncadd.s32 @!p0 s1  }
0x36: {  	[bflag:$0x3] =	sbarrier.arrive $0xFFFF  }
0x37: {  	_ =	shalt  }

// kernel: kernel.23.cloned.1.call-start
scs
__scs_entry_jumppad:
0x0: {  	(pc) =	sbr.rel $0x88, $3  }
0x1: {  	(tag) =	ssettag $0x0;
	lr =	simm.s32 $0x1  }
0x2: {  	[smem:$0x3F87] =	sst lr;
	_ =	strace $0xD0000000  }
0x3: {  	_ = 	snop  }
0x4: {  	_ = 	snop  }
0x5: {  	_ = 	snop  }
0x6: {  	_ = 	snop  }
0x7: {  	_ = 	snop  }
__scs_overlays_trampoline_lowered:
0x8: {  	[smem:$0x3F96] =	sst s0  }
0x9: {  	[smem:$0x3F97] =	sst s1  }
0xa: {  	[smem:$0x3F98] =	sst s2  }
0xb: {  	[smem:$0x3F99] =	sst s3  }
0xc: {  	[smem:$0x3F9A] =	sst s4  }
0xd: {  	[smem:$0x3F9B] =	sst s5  }
0xe: {  	[smem:$0x3F9C] =	sst s6  }
0xf: {  	[smem:$0x3F9D] =	sst s7  }
0x10: {  	[smem:$0x3F9E] =	sst s8  }
0x11: {  	[smem:$0x3F9F] =	sst s9;
	s0 =	simm.s32 @!p0 $0x0  }
0x12: {  	s1 =	sld [smem:$0x3F85];
	s0 =	simm.s32 @p0 $0x1  }
0x13: {  	[smem:$0x3FA0] =	sst s0;
	s0 =	simm.s32 @!p1 $0x0  }
0x14: {  	s2 =	sld [smem:$0x3F84];
	s0 =	simm.s32 @p1 $0x1  }
0x15: {  	[smem:$0x3FA1] =	sst s0;
	s0 =	simm.s32 @!p2 $0x0  }
0x16: {  	s3 =	sld [smem:$0x3FDB];
	s0 =	simm.s32 @p2 $0x1  }
0x17: {  	s4 =	simm.s32 $0x1BF5;
	[smem:$0x3FA3] =	sst s0  }
0x18: {  	s0 =	sld [smem:$0x3F86];
	_ =	swait.ge [sflag:s4], $0x0  }
0x19: {  	s7 =	sld [smem:$0x3F87]  }
0x1a: {  	s8 =	sadd.s32 $0xFFFFE003, lr  }
0x1b: {  	s9 =	sadd.s32 $0xFFFFFEF7, lr;
	s5 =	simm.s32 $0xFFFFFFFF;
	p2 =	slt.u32 s8, $0xFFFFF086  }
0x1c: {  	p1 =	slt.u32 s9, $0xF7A;
	s5 =	simm.s32 @!p2 $0x0  }
0x1d: {  	s5 =	simm.s32 @p1 $0x1;
	p0 =	seq.s32 s7, s2  }
0x1e: {  	s7 =	smul.u32 @!p0 $0xF7A, s2;
	p2 =	seq.s32 @!p0 s5, $0x0  }
0x1f: {  	s9 =	smul.u32 $0xF7A, s1;
	s8 =	simm.s32 @!p0 $0x1BF5;
	p2 =	por !p2, p0  }
0x20: {  	[sflag:s8] =	ssyncset.s32 @!p0 $0xFFFFF086;
	s6 =	sadd.s32 @!p0 s3, s7;
	s7 =	simm.s32 @!p0 $0x108  }
0x21: {  	s3 =	sadd.s32 s3, s9;
	s6 =	sadd.s32 @!p0 $0x88, s6;
	s7 =	simm.s32 @p2 $0x1082  }
0x22: {  	[simem:s7], [sflag:s8] =	dma.local @!p0 [hbm:s6], $0xF7A  }
0x23: {  	s9 =	sor.u32 $0xD0000000, s2;
	s6 =	simm.s32 $0x108;
	_ =	swait.ge @!p0 [sflag:s8], $0x0  }
0x24: {  	s3 =	sadd.s32 $0x88, s3;
	s6 =	simm.s32 @!p1 $0x1082;
	[sflag:s4] =	ssyncset.s32 $0xFFFFF086  }
0x25: {  	[simem:s6], [sflag:s4] =	dma.local [hbm:s3], $0xF7A  }
0x26: {  	[smem:$0x3F87] =	sst s1;
	(tag) =	ssettag s2;
	_ =	strace s9  }
0x27: {  	s1 =	sld [smem:$0x3F97]  }
0x28: {  	s2 =	sld [smem:$0x3F98]  }
0x29: {  	s4 =	sld [smem:$0x3F9A]  }
0x2a: {  	p0 =	seq.s32 s5, $0x0;
	s5 =	sld [smem:$0x3F9B]  }
0x2b: {  	s6 =	sld [smem:$0x3F9C]  }
0x2c: {  	s7 =	sld [smem:$0x3F9D]  }
0x2d: {  	s3 =	simm.s32 $0x108;
	s8 =	sld [smem:$0x3F9E]  }
0x2e: {  	s3 =	simm.s32 @!p0 $0x1082;
	s9 =	sld [smem:$0x3F9F]  }
0x2f: {  	lr =	sadd.s32 s0, s3;
	s0 =	sld [smem:$0x3F96]  }
0x30: {  	s3 =	sld [smem:$0x3F99]  }
0x31: {  	[smem:$0x3FA2] =	sst s10  }
0x32: {  	s10 =	sld [smem:$0x3FA0];
	_ =	sdelay $0x3  }
0x33: {  	p0 =	seq.s32 s10, $0x1;
	s10 =	sld [smem:$0x3FA2];
	_ =	sdelay $0x3  }
0x34: {  	[smem:$0x3FA2] =	sst s10  }
0x35: {  	s10 =	sld [smem:$0x3FA1];
	_ =	sdelay $0x3  }
0x36: {  	p1 =	seq.s32 s10, $0x1;
	s10 =	sld [smem:$0x3FA2];
	_ =	sdelay $0x3  }
0x37: {  	[smem:$0x3FA2] =	sst s10  }
0x38: {  	s10 =	sld [smem:$0x3FA3]  }
0x39: {  	_ = 	snop;
	(pc) =	sbr.ind lr, $3  }
0x3a: {  	_ = 	snop  }
0x3b: {  	_ = 	snop  }
0x3c: {  	p2 =	seq.s32 s10, $0x1;
	s10 =	sld [smem:$0x3FA2]  }
0x3d: {  	_ =	shalt  }
0x3e: {  	_ =	shalt  }
0x3f: {  	_ =	shalt  }
0x40: {  	_ =	shalt  }
0x41: {  	_ =	shalt  }
0x42: {  	_ =	shalt  }
0x43: {  	_ =	shalt  }
0x44: {  	_ =	shalt  }
0x45: {  	_ =	shalt  }
0x46: {  	_ =	shalt  }
0x47: {  	_ =	shalt  }
0x48: {  	_ =	shalt  }
0x49: {  	_ =	shalt  }
0x4a: {  	_ =	shalt  }
0x4b: {  	_ =	shalt  }
0x4c: {  	_ =	shalt  }
0x4d: {  	_ =	shalt  }
0x4e: {  	_ =	shalt  }
0x4f: {  	_ =	shalt  }
0x50: {  	_ =	shalt  }
0x51: {  	_ =	shalt  }
0x52: {  	_ =	shalt  }
0x53: {  	_ =	shalt  }
0x54: {  	_ =	shalt  }
0x55: {  	_ =	shalt  }
0x56: {  	_ =	shalt  }
0x57: {  	_ =	shalt  }
0x58: {  	_ =	shalt  }
0x59: {  	_ =	shalt  }
0x5a: {  	_ =	shalt  }
0x5b: {  	_ =	shalt  }
0x5c: {  	_ =	shalt  }
0x5d: {  	_ =	shalt  }
0x5e: {  	_ =	shalt  }
0x5f: {  	_ =	shalt  }
0x60: {  	_ =	shalt  }
0x61: {  	_ =	shalt  }
0x62: {  	_ =	shalt  }
0x63: {  	_ =	shalt  }
0x64: {  	_ =	shalt  }
0x65: {  	_ =	shalt  }
0x66: {  	_ =	shalt  }
0x67: {  	_ =	shalt  }
0x68: {  	_ =	shalt  }
0x69: {  	_ =	shalt  }
0x6a: {  	_ =	shalt  }
0x6b: {  	_ =	shalt  }
0x6c: {  	_ =	shalt  }
0x6d: {  	_ =	shalt  }
0x6e: {  	_ =	shalt  }
0x6f: {  	_ =	shalt  }
0x70: {  	_ =	shalt  }
0x71: {  	_ =	shalt  }
0x72: {  	_ =	shalt  }
0x73: {  	_ =	shalt  }
0x74: {  	_ =	shalt  }
0x75: {  	_ =	shalt  }
0x76: {  	_ =	shalt  }
0x77: {  	_ =	shalt  }
0x78: {  	_ =	shalt  }
0x79: {  	_ =	shalt  }
0x7a: {  	_ =	shalt  }
0x7b: {  	_ =	shalt  }
0x7c: {  	_ =	shalt  }
0x7d: {  	_ =	shalt  }
0x7e: {  	_ =	shalt  }
0x7f: {  	_ =	shalt  }
0x80: {  	_ =	shalt  }
0x81: {  	_ =	shalt  }
0x82: {  	_ =	shalt  }
0x83: {  	_ =	shalt  }
0x84: {  	_ =	shalt  }
0x85: {  	_ =	shalt  }
0x86: {  	_ =	shalt  }
0x87: {  	_ =	shalt  }
.Lfunc_end0:
.L_simem_size_0:
called_computation.2_lowered:
.L_overlay_start_0:
0x88: {  	s2 =	sld [smem:$0x3FD9]  }
0x89: {  	s3 =	sld [smem:$0x3FFE];
	_ =	sdelay $0x1  }
0x8a: {  	s1 =	srdreg.scid  }
0x8b: {  	s0 =	sand.u32 $0x1, s1  }
0x8c: {  	s16 =	sshll.u32 s0, $0xA;
	s2 =	sadd.s32 s3, s2  }
0x8d: {  	s2 =	sadd.s32 s2, s16  }
0x8e: {  	[smem:$0x3FAE] =	sst s2  }
0x8f: {  	_ = 	snop  }
0x90: {  	(tm) =	ssettm $0x1  }
0x91: {  	s17 =	sld [smem:$0x3FFB];
	_ =	sdelay $0x3  }
0x92: {  	_ =	strace s17  }
0x93: {  	s2 =	sld [smem:$0x3FFC];
	_ =	sdelay $0x3  }
0x94: {  	_ =	strace s2  }
0x95: {  	s2 =	sld [smem:$0x3FFD];
	_ =	sdelay $0x3  }
0x96: {  	_ =	strace s2  }
0x97: {  	_ =	strace $0x8FFFFFFF  }
0x98: {  	s18 =	sld [smem:$0x3FDB];
	_ =	sdelay $0x1  }
0x99: {  	s19 =	simm.s32 $_scs_section_size  }
0x9a: {  	s4 =	simm.s32 $_size__tile_overlayer_lowered;
	s5 =	simm.s32 $_tile_overlayer_lowered  }
0x9b: {  	s22 =	simm.s32 $0x1BFF;
	s21 =	sshll.u32 s5, $0x1;
	s2 =	sadd.s32 s19, s18  }
0x9c: {  	s6 =	simm.s32 $0x0;
	s20 =	sshll.u32 s4, $0x1;
	s4 =	sadd.s32 s21, s2  }
0x9d: {  	[timem:s6], [sflag:s22] =	dma.local [hbm:s4], s20  }
0x9e: {  	_ =	swait.ge [sflag:s22], s20  }
0x9f: {  	s3 =	ssub.s32 $0x0, s20;
	[sflag:s22] =	ssyncset.done $0x0  }
0xa0: {  	[sflag:s22] =	ssyncadd.s32 s3;
	_ =	sdelay $0x1  }
0xa1: {  	s23 =	simm.s32 $0x1B8B  }
0xa2: {  	_ =	swait.ge [sflag:s23], $0x1  }
0xa3: {  	[sflag:s23] =	ssyncset.done $0x0  }
0xa4: {  	s25 =	simm.s32 $0x1B8E;
	s24 =	sld [smem:$0x3FFE];
	[sflag:s23] =	ssyncadd.s32 $0xFFFFFFFF  }
0xa5: {  	s26 =	simm.s32 $execute0_lowered;
	[smem:$0x3FD2] =	sst s25  }
0xa6: {  	s4 =	sshll.u32 s26, $0x1;
	_ =	strace $0x8000004C;
	[dreg:$0x1] =	wrdreg $0xFFFFFFFF  }
0xa7: {  	s28 =	simm.s32 $_size_execute0_lowered;
	s2 =	sadd.s32 s2, s4;
	[dreg:$0x0] =	wrdreg $0x0  }
0xa8: {  	s4 =	sshll.u32 s28, $0x1;
	[dreg:$0x2] =	wrdreg s2  }
0xa9: {  	[dreg:$0x3] =	wrdreg s4  }
0xaa: {  	[dreg:$0x4] =	wrdreg $0xC0  }
0xab: {  	_ =	task [dreg:s6], $0x5FFFF  }
0xac: {  	[dreg:$0x1] =	wrdreg $0xFFFFFFFF  }
0xad: {  	[dreg:$0x0] =	wrdreg $0x60  }
0xae: {  	[dreg:$0x2] =	wrdreg s24  }
0xaf: {  	[dreg:$0x3] =	wrdreg $0x9  }
0xb0: {  	_ =	task.clear_ibuf [dreg:s6], $0x4FFFF;
	_ =	strace $0x9000004C  }
0xb1: {  	s29 =	simm.s32 $0x9;
	_ =	strace $0x8000004E  }
0xb2: {  	_ =	swait.ge [sflag:s29], $0x1  }
0xb3: {  	[sflag:s29] =	ssyncadd.s32 $0xFFFFFFFF  }
0xb4: {  	_ =	strace $0x9000004E  }
0xb5: {  	_ =	sfence  }
0xb6: {  	s30 =	sld [smem:$0x0];
	_ =	sdelay $0x2  }
0xb7: {  	s31 =	sshll.u32 s1, $0xD;
	s1 =	sshrl.u32 s1, $0x2  }
0xb8: {  	s3 =	sand.u32 $0x4000, s31;
	s1 =	sadd.s32 s1, s30  }
0xb9: {  	s0 =	sor.u32 s3, s0;
	s1 =	sshll.u32 s1, $0x11  }
0xba: {  	s0 =	sor.u32 s1, s0  }
0xbb: {  	s0 =	sadd.s32 $0x8F2B, s0  }
0xbc: {  	[sflag:s0] =	ssyncadd.remote.s32 $0x1  }
0xbd: {  	_ =	sfence.sel $0xFFFF  }
0xbe: {  	[dreg:$0x0] =	wrdreg $0xFFFFFFFF;
	(pc) =	sbr.abs _section_cstart, $3  }
0xbf: {  	[dreg:$0x1] =	wrdreg $0xFFFFFFFF  }
0xc0: {  	_ =	task.clear_ibuf [dreg:s6], $0x2FFFF;
	_ =	strace $0x9FFFFFFF  }
0xc1: {  	(tm) =	ssettm $0x7FFFFFFF  }
tec
execute0_lowered:
.L_overlay_start_1:
0x0: {  	(tag) =	ssettag $0x1  }
0x1: {  	s1 =	srdreg.scid;
	s0 =	stileid.u32  }
0x2: {  	s4 =	rddreg [dreg:$0x0];
	s2 =	simm.s32 $0x0;
	s10 =	simm.s32 $0x1  }
0x3: {  	s11 =	simm.s32 $0x0;
	s3 =	sand.u32 $0x1, s1;
	s1 =	rddreg [dreg:$0x1]  }
0x4: {  	s5 =	sshll.u32 s0, $0x1;
	[smem:$0x7FF] =	sst s2;
	s6 =	smul.u32 $0x14000, s0  }
0x5: {  	s5 =	sor.u32 s3, s5;
	s7 =	ssub.s32 $0x2, s3;
	s9 =	smul.u32 $0xA000, s3  }
0x6: {  	_ =	strace $0x8000004D;
	s5 =	smul.u32 $0xA00, s5;
	s8 =	sshrl.u32 s7, $0x1  }
0x7: {  	s3 =	sadd.s32 $0x15A00, s4;
	s6 =	sadd.s32 s6, s4;
	s7 =	ssub.s32 s7, s8  }
0x8: {  	s6 =	sadd.s32 s9, s6;
	s8 =	simm.s32 $0x50;
	s5 =	sshrl.u32 s5, $0x3  }
0x9: {  	s9 =	simm.s32 $0xA00;
	s6 =	sadd.s32 $0x15DA00, s6;
	s5 =	sadd.s32 s5, s4  }
0xa: {  	s4 =	sadd.s32 $0x3200, s5;
	s5 =	smax.u32 s7, $0x1;
	s7 =	simm.s32 $0x2  }
.LBB2_1:
0xb: {  	[tilespmem:s2], [sflag:$0x2] =	stream.linear.gather [hbm4b:s4+s2], $0xA00, $0x38;
	[tilespmem:$0x3200] =	vst v63  }
0xc: {  	_ =	swait.ge [sflag:s7], $0xA00  }
0xd: {  	[sflag:s7] =	ssyncset.done $0x0  }
0xe: {  	s12 =	simm.s32 $0x0;
	[sflag:s7] =	ssyncadd.s32 $0xFFFFF600  }
0xf: {  	[tilespmem:s9], [sflag:$0x1] =	stream.indirect.gather [hbm4b:s3+s8], $0x80, s12, s8, $0xb8;
	[tilespmem:$0x3200] =	vst v63  }
0x10: {  	_ =	swait.ge [sflag:s10], $0x2800  }
0x11: {  	[sflag:s10] =	ssyncset.done $0x0  }
0x12: {  	[sflag:s10] =	ssyncadd.s32 $0xFFFFD800  }
0x13: {  	[hbm4b:s6+s2] =	stream.linear.scatter [tilespmem:s9], [sflag:$0x2], $0x2800, $0x38;
	[tilespmem:$0x3200] =	vst v63  }
0x14: {  	s13 =	simm.s32 $0x140;
	_ =	swait.ge [sflag:s7], $0x2800  }
0x15: {  	s14 =	simm.s32 $0x280;
	s12 =	sadd.s32 $0x500, s6;
	[sflag:s7] =	ssyncset.done $0x0  }
.LBB2_2:
0x16: {  	s15 =	sshra.s32 s13, $0x2  }
0x17: {  	[sflag:s7] =	ssyncadd.s32 $0xFFFFD800;
	s13 =	smov.u32 s14;
	s16 =	sadd.s32 $0x140, s14  }
0x18: {  	[tilespmem:s9], [sflag:$0x1] =	stream.indirect.gather [hbm4b:s3+s8], $0x80, s15, s8, $0xb8;
	[tilespmem:$0x3200] =	vst v63  }
0x19: {  	p0 =	sne.s32 s14, $0x26C0;
	_ =	swait.ge [sflag:s10], $0x2800  }
.Ltmp0:
0x1a: {  	[sflag:s10] =	ssyncset.done $0x0;
	(pc) =	sbr.rel @p0 .LBB2_2-.Ltmp0, $4  }
0x1b: {  	[sflag:s10] =	ssyncadd.s32 $0xFFFFD800  }
0x1c: {  	[hbm4b:s12+s2] =	stream.linear.scatter [tilespmem:s9], [sflag:$0x2], $0x2800, $0x38;
	[tilespmem:$0x3200] =	vst v63  }
0x1d: {  	_ =	swait.ge [sflag:s7], $0x2800  }
0x1e: {  	s14 =	smov.u32 s16;
	s12 =	sadd.s32 $0x500, s12;
	[sflag:s7] =	ssyncset.done $0x0  }
0x1f: {  	s13 =	sshra.s32 s13, $0x2;
	[sflag:s7] =	ssyncadd.s32 $0xFFFFD800  }
0x20: {  	[tilespmem:s9], [sflag:$0x1] =	stream.indirect.gather [hbm4b:s3+s8], $0x80, s13, s8, $0xb8;
	[tilespmem:$0x3200] =	vst v63  }
0x21: {  	s11 =	sadd.s32 $0x1, s11;
	_ =	swait.ge [sflag:s10], $0x2800  }
0x22: {  	p0 =	sne.s32 s11, s5;
	[sflag:s10] =	ssyncset.done $0x0  }
.Ltmp1:
0x23: {  	[sflag:s10] =	ssyncadd.s32 $0xFFFFD800;
	(pc) =	sbr.rel @p0 .LBB2_1-.Ltmp1, $4  }
0x24: {  	[hbm4b:s12+s2] =	stream.linear.scatter [tilespmem:s9], [sflag:$0x2], $0x2800, $0x38;
	[tilespmem:$0x3200] =	vst v63  }
0x25: {  	_ =	swait.ge [sflag:s7], $0x2800  }
0x26: {  	[sflag:s7] =	ssyncset.done $0x0  }
0x27: {  	[sflag:s7] =	ssyncadd.s32 $0xFFFFD800  }
0x28: {  	_ =	sfence.sel $0x180000  }
0x29: {  	[bflag:$0x0] =	sbarrier.arrive $0xFFFF  }
0x2a: {  	p0 =	sne.s32 s0, $0x0;
	_ =	strace $0x9000004D  }
0x2b: {  	s0 =	sadd.s32 @!p0 $0x100000, s1;
	[bflag:$0x2] =	sbarrier.arrive $0xFFFF  }
0x2c: {  	[sflag:s0] =	ssyncadd.tile.s32 @!p0 $0x1;
	_ =	shalt  }
.Lfunc_end2:
_tile_overlayer_lowered:
.L_overlay_start_2:
0x2d: {  	(tag) =	ssettag $0x2  }
0x2e: {  	s0 =	rddreg [dreg:$0x0];
	s2 =	stileid.u32  }
0x2f: {  	s1 =	rddreg [dreg:$0x1];
	p0 =	sne.s32 s2, $0x0  }
0x30: {  	s3 =	rddreg [dreg:$0x2];
	[bflag:$0x3] =	sbarrier.arrive $0xFFFF;
	s2 =	simm.s32 @!p0 $0x1C02  }
0x31: {  	[timem:s3], [sflag:s2] =	dma.local @!p0 [hbm:s0], s1  }
0x32: {  	s0 =	simm.s32 @!p0 $0x2  }
0x33: {  	_ =	swait.ge @!p0 [sflag:s0], s1  }
0x34: {  	s1 =	ssub.s32 @!p0 $0x0, s1;
	[sflag:s0] =	ssyncset.done @!p0 $0x0  }
0x35: {  	[sflag:s0] =	ssyncadd.s32 @!p0 s1  }
0x36: {  	[bflag:$0x3] =	sbarrier.arrive $0xFFFF  }
0x37: {  	_ =	shalt  }

// kernel: kernel.26.cloned.1.call-start
scs
__scs_entry_jumppad:
0x0: {  	(pc) =	sbr.rel $0x88, $3  }
0x1: {  	(tag) =	ssettag $0x0;
	lr =	simm.s32 $0x1  }
0x2: {  	[smem:$0x3F87] =	sst lr;
	_ =	strace $0xD0000000  }
0x3: {  	_ = 	snop  }
0x4: {  	_ = 	snop  }
0x5: {  	_ = 	snop  }
0x6: {  	_ = 	snop  }
0x7: {  	_ = 	snop  }
__scs_overlays_trampoline_lowered:
0x8: {  	[smem:$0x3F96] =	sst s0  }
0x9: {  	[smem:$0x3F97] =	sst s1  }
0xa: {  	[smem:$0x3F98] =	sst s2  }
0xb: {  	[smem:$0x3F99] =	sst s3  }
0xc: {  	[smem:$0x3F9A] =	sst s4  }
0xd: {  	[smem:$0x3F9B] =	sst s5  }
0xe: {  	[smem:$0x3F9C] =	sst s6  }
0xf: {  	[smem:$0x3F9D] =	sst s7  }
0x10: {  	[smem:$0x3F9E] =	sst s8  }
0x11: {  	[smem:$0x3F9F] =	sst s9;
	s0 =	simm.s32 @!p0 $0x0  }
0x12: {  	s1 =	sld [smem:$0x3F85];
	s0 =	simm.s32 @p0 $0x1  }
0x13: {  	[smem:$0x3FA0] =	sst s0;
	s0 =	simm.s32 @!p1 $0x0  }
0x14: {  	s2 =	sld [smem:$0x3F84];
	s0 =	simm.s32 @p1 $0x1  }
0x15: {  	[smem:$0x3FA1] =	sst s0;
	s0 =	simm.s32 @!p2 $0x0  }
0x16: {  	s3 =	sld [smem:$0x3FDB];
	s0 =	simm.s32 @p2 $0x1  }
0x17: {  	s4 =	simm.s32 $0x1BF5;
	[smem:$0x3FA3] =	sst s0  }
0x18: {  	s0 =	sld [smem:$0x3F86];
	_ =	swait.ge [sflag:s4], $0x0  }
0x19: {  	s7 =	sld [smem:$0x3F87]  }
0x1a: {  	s8 =	sadd.s32 $0xFFFFE003, lr  }
0x1b: {  	s9 =	sadd.s32 $0xFFFFFEF7, lr;
	s5 =	simm.s32 $0xFFFFFFFF;
	p2 =	slt.u32 s8, $0xFFFFF086  }
0x1c: {  	p1 =	slt.u32 s9, $0xF7A;
	s5 =	simm.s32 @!p2 $0x0  }
0x1d: {  	s5 =	simm.s32 @p1 $0x1;
	p0 =	seq.s32 s7, s2  }
0x1e: {  	s7 =	smul.u32 @!p0 $0xF7A, s2;
	p2 =	seq.s32 @!p0 s5, $0x0  }
0x1f: {  	s9 =	smul.u32 $0xF7A, s1;
	s8 =	simm.s32 @!p0 $0x1BF5;
	p2 =	por !p2, p0  }
0x20: {  	[sflag:s8] =	ssyncset.s32 @!p0 $0xFFFFF086;
	s6 =	sadd.s32 @!p0 s3, s7;
	s7 =	simm.s32 @!p0 $0x108  }
0x21: {  	s3 =	sadd.s32 s3, s9;
	s6 =	sadd.s32 @!p0 $0x88, s6;
	s7 =	simm.s32 @p2 $0x1082  }
0x22: {  	[simem:s7], [sflag:s8] =	dma.local @!p0 [hbm:s6], $0xF7A  }
0x23: {  	s9 =	sor.u32 $0xD0000000, s2;
	s6 =	simm.s32 $0x108;
	_ =	swait.ge @!p0 [sflag:s8], $0x0  }
0x24: {  	s3 =	sadd.s32 $0x88, s3;
	s6 =	simm.s32 @!p1 $0x1082;
	[sflag:s4] =	ssyncset.s32 $0xFFFFF086  }
0x25: {  	[simem:s6], [sflag:s4] =	dma.local [hbm:s3], $0xF7A  }
0x26: {  	[smem:$0x3F87] =	sst s1;
	(tag) =	ssettag s2;
	_ =	strace s9  }
0x27: {  	s1 =	sld [smem:$0x3F97]  }
0x28: {  	s2 =	sld [smem:$0x3F98]  }
0x29: {  	s4 =	sld [smem:$0x3F9A]  }
0x2a: {  	p0 =	seq.s32 s5, $0x0;
	s5 =	sld [smem:$0x3F9B]  }
0x2b: {  	s6 =	sld [smem:$0x3F9C]  }
0x2c: {  	s7 =	sld [smem:$0x3F9D]  }
0x2d: {  	s3 =	simm.s32 $0x108;
	s8 =	sld [smem:$0x3F9E]  }
0x2e: {  	s3 =	simm.s32 @!p0 $0x1082;
	s9 =	sld [smem:$0x3F9F]  }
0x2f: {  	lr =	sadd.s32 s0, s3;
	s0 =	sld [smem:$0x3F96]  }
0x30: {  	s3 =	sld [smem:$0x3F99]  }
0x31: {  	[smem:$0x3FA2] =	sst s10  }
0x32: {  	s10 =	sld [smem:$0x3FA0];
	_ =	sdelay $0x3  }
0x33: {  	p0 =	seq.s32 s10, $0x1;
	s10 =	sld [smem:$0x3FA2];
	_ =	sdelay $0x3  }
0x34: {  	[smem:$0x3FA2] =	sst s10  }
0x35: {  	s10 =	sld [smem:$0x3FA1];
	_ =	sdelay $0x3  }
0x36: {  	p1 =	seq.s32 s10, $0x1;
	s10 =	sld [smem:$0x3FA2];
	_ =	sdelay $0x3  }
0x37: {  	[smem:$0x3FA2] =	sst s10  }
0x38: {  	s10 =	sld [smem:$0x3FA3]  }
0x39: {  	_ = 	snop;
	(pc) =	sbr.ind lr, $3  }
0x3a: {  	_ = 	snop  }
0x3b: {  	_ = 	snop  }
0x3c: {  	p2 =	seq.s32 s10, $0x1;
	s10 =	sld [smem:$0x3FA2]  }
0x3d: {  	_ =	shalt  }
0x3e: {  	_ =	shalt  }
0x3f: {  	_ =	shalt  }
0x40: {  	_ =	shalt  }
0x41: {  	_ =	shalt  }
0x42: {  	_ =	shalt  }
0x43: {  	_ =	shalt  }
0x44: {  	_ =	shalt  }
0x45: {  	_ =	shalt  }
0x46: {  	_ =	shalt  }
0x47: {  	_ =	shalt  }
0x48: {  	_ =	shalt  }
0x49: {  	_ =	shalt  }
0x4a: {  	_ =	shalt  }
0x4b: {  	_ =	shalt  }
0x4c: {  	_ =	shalt  }
0x4d: {  	_ =	shalt  }
0x4e: {  	_ =	shalt  }
0x4f: {  	_ =	shalt  }
0x50: {  	_ =	shalt  }
0x51: {  	_ =	shalt  }
0x52: {  	_ =	shalt  }
0x53: {  	_ =	shalt  }
0x54: {  	_ =	shalt  }
0x55: {  	_ =	shalt  }
0x56: {  	_ =	shalt  }
0x57: {  	_ =	shalt  }
0x58: {  	_ =	shalt  }
0x59: {  	_ =	shalt  }
0x5a: {  	_ =	shalt  }
0x5b: {  	_ =	shalt  }
0x5c: {  	_ =	shalt  }
0x5d: {  	_ =	shalt  }
0x5e: {  	_ =	shalt  }
0x5f: {  	_ =	shalt  }
0x60: {  	_ =	shalt  }
0x61: {  	_ =	shalt  }
0x62: {  	_ =	shalt  }
0x63: {  	_ =	shalt  }
0x64: {  	_ =	shalt  }
0x65: {  	_ =	shalt  }
0x66: {  	_ =	shalt  }
0x67: {  	_ =	shalt  }
0x68: {  	_ =	shalt  }
0x69: {  	_ =	shalt  }
0x6a: {  	_ =	shalt  }
0x6b: {  	_ =	shalt  }
0x6c: {  	_ =	shalt  }
0x6d: {  	_ =	shalt  }
0x6e: {  	_ =	shalt  }
0x6f: {  	_ =	shalt  }
0x70: {  	_ =	shalt  }
0x71: {  	_ =	shalt  }
0x72: {  	_ =	shalt  }
0x73: {  	_ =	shalt  }
0x74: {  	_ =	shalt  }
0x75: {  	_ =	shalt  }
0x76: {  	_ =	shalt  }
0x77: {  	_ =	shalt  }
0x78: {  	_ =	shalt  }
0x79: {  	_ =	shalt  }
0x7a: {  	_ =	shalt  }
0x7b: {  	_ =	shalt  }
0x7c: {  	_ =	shalt  }
0x7d: {  	_ =	shalt  }
0x7e: {  	_ =	shalt  }
0x7f: {  	_ =	shalt  }
0x80: {  	_ =	shalt  }
0x81: {  	_ =	shalt  }
0x82: {  	_ =	shalt  }
0x83: {  	_ =	shalt  }
0x84: {  	_ =	shalt  }
0x85: {  	_ =	shalt  }
0x86: {  	_ =	shalt  }
0x87: {  	_ =	shalt  }
.Lfunc_end0:
.L_simem_size_0:
called_computation.3_lowered:
.L_overlay_start_0:
0x88: {  	s2 =	sld [smem:$0x3FD9]  }
0x89: {  	s3 =	sld [smem:$0x3FFE];
	_ =	sdelay $0x1  }
0x8a: {  	s1 =	srdreg.scid  }
0x8b: {  	s0 =	sand.u32 $0x1, s1  }
0x8c: {  	s16 =	sshll.u32 s0, $0xA;
	s2 =	sadd.s32 s3, s2  }
0x8d: {  	s2 =	sadd.s32 s2, s16  }
0x8e: {  	[smem:$0x3FAE] =	sst s2  }
0x8f: {  	_ = 	snop  }
0x90: {  	(tm) =	ssettm $0x1  }
0x91: {  	s17 =	sld [smem:$0x3FFB];
	_ =	sdelay $0x3  }
0x92: {  	_ =	strace s17  }
0x93: {  	s2 =	sld [smem:$0x3FFC];
	_ =	sdelay $0x3  }
0x94: {  	_ =	strace s2  }
0x95: {  	s2 =	sld [smem:$0x3FFD];
	_ =	sdelay $0x3  }
0x96: {  	_ =	strace s2  }
0x97: {  	_ =	strace $0x8FFFFFFF  }
0x98: {  	s18 =	sld [smem:$0x3FDB];
	_ =	sdelay $0x1  }
0x99: {  	s19 =	simm.s32 $_scs_section_size  }
0x9a: {  	s4 =	simm.s32 $_size__tile_overlayer_lowered;
	s5 =	simm.s32 $_tile_overlayer_lowered  }
0x9b: {  	s22 =	simm.s32 $0x1BFF;
	s21 =	sshll.u32 s5, $0x1;
	s2 =	sadd.s32 s19, s18  }
0x9c: {  	s6 =	simm.s32 $0x0;
	s20 =	sshll.u32 s4, $0x1;
	s4 =	sadd.s32 s21, s2  }
0x9d: {  	[timem:s6], [sflag:s22] =	dma.local [hbm:s4], s20  }
0x9e: {  	_ =	swait.ge [sflag:s22], s20  }
0x9f: {  	s3 =	ssub.s32 $0x0, s20;
	[sflag:s22] =	ssyncset.done $0x0  }
0xa0: {  	[sflag:s22] =	ssyncadd.s32 s3;
	_ =	sdelay $0x1  }
0xa1: {  	s23 =	simm.s32 $0x1B8B  }
0xa2: {  	_ =	swait.ge [sflag:s23], $0x1  }
0xa3: {  	[sflag:s23] =	ssyncset.done $0x0  }
0xa4: {  	s25 =	simm.s32 $0x1B8E;
	s24 =	sld [smem:$0x3FFE];
	[sflag:s23] =	ssyncadd.s32 $0xFFFFFFFF  }
0xa5: {  	s26 =	simm.s32 $execute0_lowered;
	[smem:$0x3FD2] =	sst s25  }
0xa6: {  	s4 =	sshll.u32 s26, $0x1;
	_ =	strace $0x8000004F;
	[dreg:$0x1] =	wrdreg $0xFFFFFFFF  }
0xa7: {  	s28 =	simm.s32 $_size_execute0_lowered;
	s2 =	sadd.s32 s2, s4;
	[dreg:$0x0] =	wrdreg $0x0  }
0xa8: {  	s4 =	sshll.u32 s28, $0x1;
	[dreg:$0x2] =	wrdreg s2  }
0xa9: {  	[dreg:$0x3] =	wrdreg s4  }
0xaa: {  	[dreg:$0x4] =	wrdreg $0xC0  }
0xab: {  	_ =	task [dreg:s6], $0x5FFFF  }
0xac: {  	[dreg:$0x1] =	wrdreg $0xFFFFFFFF  }
0xad: {  	[dreg:$0x0] =	wrdreg $0x60  }
0xae: {  	[dreg:$0x2] =	wrdreg s24  }
0xaf: {  	[dreg:$0x3] =	wrdreg $0x9  }
0xb0: {  	_ =	task.clear_ibuf [dreg:s6], $0x4FFFF;
	_ =	strace $0x9000004F  }
0xb1: {  	s29 =	simm.s32 $0x9;
	_ =	strace $0x80000051  }
0xb2: {  	_ =	swait.ge [sflag:s29], $0x1  }
0xb3: {  	[sflag:s29] =	ssyncadd.s32 $0xFFFFFFFF  }
0xb4: {  	_ =	strace $0x90000051  }
0xb5: {  	_ =	sfence  }
0xb6: {  	s30 =	sld [smem:$0x0];
	_ =	sdelay $0x2  }
0xb7: {  	s31 =	sshll.u32 s1, $0xD;
	s1 =	sshrl.u32 s1, $0x2  }
0xb8: {  	s3 =	sand.u32 $0x4000, s31;
	s1 =	sadd.s32 s1, s30  }
0xb9: {  	s0 =	sor.u32 s3, s0;
	s1 =	sshll.u32 s1, $0x11  }
0xba: {  	s0 =	sor.u32 s1, s0  }
0xbb: {  	s0 =	sadd.s32 $0x8F2B, s0  }
0xbc: {  	[sflag:s0] =	ssyncadd.remote.s32 $0x1  }
0xbd: {  	_ =	sfence.sel $0xFFFF  }
0xbe: {  	[dreg:$0x0] =	wrdreg $0xFFFFFFFF;
	(pc) =	sbr.abs _section_cstart, $3  }
0xbf: {  	[dreg:$0x1] =	wrdreg $0xFFFFFFFF  }
0xc0: {  	_ =	task.clear_ibuf [dreg:s6], $0x2FFFF;
	_ =	strace $0x9FFFFFFF  }
0xc1: {  	(tm) =	ssettm $0x7FFFFFFF  }
tec
execute0_lowered:
.L_overlay_start_1:
0x0: {  	(tag) =	ssettag $0x1  }
0x1: {  	s1 =	srdreg.scid;
	s0 =	stileid.u32  }
0x2: {  	s4 =	rddreg [dreg:$0x0];
	s2 =	simm.s32 $0x0;
	s10 =	simm.s32 $0x1  }
0x3: {  	s11 =	simm.s32 $0x0;
	s3 =	sand.u32 $0x1, s1;
	s1 =	rddreg [dreg:$0x1]  }
0x4: {  	s5 =	sshll.u32 s0, $0x1;
	[smem:$0x7FF] =	sst s2;
	s6 =	smul.u32 $0x14000, s0  }
0x5: {  	s5 =	sor.u32 s3, s5;
	s7 =	ssub.s32 $0x2, s3;
	s9 =	smul.u32 $0xA000, s3  }
0x6: {  	_ =	strace $0x80000050;
	s5 =	smul.u32 $0xA00, s5;
	s8 =	sshrl.u32 s7, $0x1  }
0x7: {  	s3 =	sadd.s32 $0x2DA00, s4;
	s6 =	sadd.s32 s6, s4;
	s7 =	ssub.s32 s7, s8  }
0x8: {  	s6 =	sadd.s32 s9, s6;
	s8 =	simm.s32 $0x50;
	s5 =	sshrl.u32 s5, $0x3  }
0x9: {  	s9 =	simm.s32 $0xA00;
	s6 =	sadd.s32 $0x15DA00, s6;
	s5 =	sadd.s32 s5, s4  }
0xa: {  	s4 =	sadd.s32 $0x3200, s5;
	s5 =	smax.u32 s7, $0x1;
	s7 =	simm.s32 $0x2  }
.LBB2_1:
0xb: {  	[tilespmem:s2], [sflag:$0x2] =	stream.linear.gather [hbm4b:s4+s2], $0xA00, $0x38;
	[tilespmem:$0x3200] =	vst v63  }
0xc: {  	_ =	swait.ge [sflag:s7], $0xA00  }
0xd: {  	[sflag:s7] =	ssyncset.done $0x0  }
0xe: {  	s12 =	simm.s32 $0x0;
	[sflag:s7] =	ssyncadd.s32 $0xFFFFF600  }
0xf: {  	[tilespmem:s9], [sflag:$0x1] =	stream.indirect.gather [hbm4b:s3+s8], $0x80, s12, s8, $0xb8;
	[tilespmem:$0x3200] =	vst v63  }
0x10: {  	_ =	swait.ge [sflag:s10], $0x2800  }
0x11: {  	[sflag:s10] =	ssyncset.done $0x0  }
0x12: {  	[sflag:s10] =	ssyncadd.s32 $0xFFFFD800  }
0x13: {  	[hbm4b:s6+s2] =	stream.linear.scatter [tilespmem:s9], [sflag:$0x2], $0x2800, $0x38;
	[tilespmem:$0x3200] =	vst v63  }
0x14: {  	s13 =	simm.s32 $0x140;
	_ =	swait.ge [sflag:s7], $0x2800  }
0x15: {  	s14 =	simm.s32 $0x280;
	s12 =	sadd.s32 $0x500, s6;
	[sflag:s7] =	ssyncset.done $0x0  }
.LBB2_2:
0x16: {  	s15 =	sshra.s32 s13, $0x2  }
0x17: {  	[sflag:s7] =	ssyncadd.s32 $0xFFFFD800;
	s13 =	smov.u32 s14;
	s16 =	sadd.s32 $0x140, s14  }
0x18: {  	[tilespmem:s9], [sflag:$0x1] =	stream.indirect.gather [hbm4b:s3+s8], $0x80, s15, s8, $0xb8;
	[tilespmem:$0x3200] =	vst v63  }
0x19: {  	p0 =	sne.s32 s14, $0x26C0;
	_ =	swait.ge [sflag:s10], $0x2800  }
.Ltmp0:
0x1a: {  	[sflag:s10] =	ssyncset.done $0x0;
	(pc) =	sbr.rel @p0 .LBB2_2-.Ltmp0, $4  }
0x1b: {  	[sflag:s10] =	ssyncadd.s32 $0xFFFFD800  }
0x1c: {  	[hbm4b:s12+s2] =	stream.linear.scatter [tilespmem:s9], [sflag:$0x2], $0x2800, $0x38;
	[tilespmem:$0x3200] =	vst v63  }
0x1d: {  	_ =	swait.ge [sflag:s7], $0x2800  }
0x1e: {  	s14 =	smov.u32 s16;
	s12 =	sadd.s32 $0x500, s12;
	[sflag:s7] =	ssyncset.done $0x0  }
0x1f: {  	s13 =	sshra.s32 s13, $0x2;
	[sflag:s7] =	ssyncadd.s32 $0xFFFFD800  }
0x20: {  	[tilespmem:s9], [sflag:$0x1] =	stream.indirect.gather [hbm4b:s3+s8], $0x80, s13, s8, $0xb8;
	[tilespmem:$0x3200] =	vst v63  }
0x21: {  	s11 =	sadd.s32 $0x1, s11;
	_ =	swait.ge [sflag:s10], $0x2800  }
0x22: {  	p0 =	sne.s32 s11, s5;
	[sflag:s10] =	ssyncset.done $0x0  }
.Ltmp1:
0x23: {  	[sflag:s10] =	ssyncadd.s32 $0xFFFFD800;
	(pc) =	sbr.rel @p0 .LBB2_1-.Ltmp1, $4  }
0x24: {  	[hbm4b:s12+s2] =	stream.linear.scatter [tilespmem:s9], [sflag:$0x2], $0x2800, $0x38;
	[tilespmem:$0x3200] =	vst v63  }
0x25: {  	_ =	swait.ge [sflag:s7], $0x2800  }
0x26: {  	[sflag:s7] =	ssyncset.done $0x0  }
0x27: {  	[sflag:s7] =	ssyncadd.s32 $0xFFFFD800  }
0x28: {  	_ =	sfence.sel $0x180000  }
0x29: {  	[bflag:$0x0] =	sbarrier.arrive $0xFFFF  }
0x2a: {  	p0 =	sne.s32 s0, $0x0;
	_ =	strace $0x90000050  }
0x2b: {  	s0 =	sadd.s32 @!p0 $0x100000, s1;
	[bflag:$0x2] =	sbarrier.arrive $0xFFFF  }
0x2c: {  	[sflag:s0] =	ssyncadd.tile.s32 @!p0 $0x1;
	_ =	shalt  }
.Lfunc_end2:
_tile_overlayer_lowered:
.L_overlay_start_2:
0x2d: {  	(tag) =	ssettag $0x2  }
0x2e: {  	s0 =	rddreg [dreg:$0x0];
	s2 =	stileid.u32  }
0x2f: {  	s1 =	rddreg [dreg:$0x1];
	p0 =	sne.s32 s2, $0x0  }
0x30: {  	s3 =	rddreg [dreg:$0x2];
	[bflag:$0x3] =	sbarrier.arrive $0xFFFF;
	s2 =	simm.s32 @!p0 $0x1C02  }
0x31: {  	[timem:s3], [sflag:s2] =	dma.local @!p0 [hbm:s0], s1  }
0x32: {  	s0 =	simm.s32 @!p0 $0x2  }
0x33: {  	_ =	swait.ge @!p0 [sflag:s0], s1  }
0x34: {  	s1 =	ssub.s32 @!p0 $0x0, s1;
	[sflag:s0] =	ssyncset.done @!p0 $0x0  }
0x35: {  	[sflag:s0] =	ssyncadd.s32 @!p0 s1  }
0x36: {  	[bflag:$0x3] =	sbarrier.arrive $0xFFFF  }
0x37: {  	_ =	shalt  }

</sc_bundles>
